<compile_context>
chip_gen: v7x
topology: tpu7x:2x2x1
jax: 0.10.2.dev20260603
libtpu: 0.0.44.dev20260713+nightly
codegen_flags: <defaults>
</compile_context>

<pallas_src>
import math

import jax
import jax.numpy as jnp
from jax import lax
from jax.experimental import pallas as pl
from jax.experimental.pallas import tpu as pltpu
from jax.experimental.pallas import tpu_sc as plsc

D = 64
L = 16
NC, NS = 2, 16
NW = NC * NS
R, S = 16384, 50
RPW = R // NW
P = 4
CH = P * S
NCHUNK = RPW // P
SCALE = math.sqrt(D)


def _emb_body(table_hbm, idx_hbm, out_hbm,
              idx0, idx1, rows0, rows1, blk0, blk1, sem0, sem1, wsem0, wsem1):
    wid = lax.axis_index("s") * NC + lax.axis_index("c")
    rbase = wid * RPW
    fbase = rbase * S
    idx = (idx0, idx1)
    rows = (rows0, rows1)
    blk = (blk0, blk1)
    sems = (sem0, sem1)
    wsems = (wsem0, wsem1)

    for b in range(2):
        pltpu.sync_copy(idx_hbm.at[pl.ds(fbase + b * CH, CH)], idx[b])
        pltpu.async_copy(table_hbm.at[idx[b]], rows[b], sems[b])

    @pl.loop(0, NCHUNK, step=2)
    def _chunks(g):
        for b in range(2):
            gb = g + b
            pltpu.make_async_copy(
                table_hbm.at[idx[b]], rows[b], sems[b]).wait()

            @pl.when(gb >= 2)
            def _drain():
                pltpu.make_async_copy(
                    blk[b], out_hbm.at[pl.ds(rbase, P)], wsems[b]).wait()

            for p in range(P):
                @plsc.parallel_loop(0, S, 1, unroll=4)
                def _scale_tok(s):
                    r = p * S + s
                    for j in range(D // L):
                        blk[b][p, s, pl.ds(j * L, L)] = (
                            rows[b][r, pl.ds(j * L, L)] * SCALE)

            pltpu.async_copy(
                blk[b], out_hbm.at[pl.ds(rbase + gb * P, P)], wsems[b])

            @pl.when(gb + 2 < NCHUNK)
            def _fire():
                nxt = fbase + (gb + 2) * CH
                pltpu.sync_copy(idx_hbm.at[pl.ds(nxt, CH)], idx[b])
                pltpu.async_copy(table_hbm.at[idx[b]], rows[b], sems[b])

    for b in range(2):
        pltpu.make_async_copy(
            blk[b], out_hbm.at[pl.ds(rbase, P)], wsems[b]).wait()


def kernel(tokens, table):
    tok_flat = tokens.reshape(-1)
    wide = jnp.pad(table, ((0, 0), (0, 64)))
    mesh = plsc.VectorSubcoreMesh(core_axis_name="c", subcore_axis_name="s")
    k = pl.kernel(
        _emb_body,
        out_type=jax.ShapeDtypeStruct((R, S, D), jnp.float32),
        mesh=mesh,
        scratch_types=[
            pltpu.VMEM((CH,), jnp.int32),
            pltpu.VMEM((CH,), jnp.int32),
            pltpu.VMEM((CH, 128), jnp.float32),
            pltpu.VMEM((CH, 128), jnp.float32),
            pltpu.VMEM((P, S, D), jnp.float32),
            pltpu.VMEM((P, S, D), jnp.float32),
            pltpu.SemaphoreType.DMA,
            pltpu.SemaphoreType.DMA,
            pltpu.SemaphoreType.DMA,
            pltpu.SemaphoreType.DMA,
        ],
    )
    return k(wide, tok_flat)

# --- scband reference (transcript-rebuilt; emitter-appended) ---
"""Pipeline reference for scband-token-embedding-12120397709914 (READ-ONLY COPY).

The authoritative reference and input builder live on the scoring server;
editing this copy changes nothing except your own understanding.
"""

import jax, jax.numpy as jnp
import numpy as np
import math

VOCAB = 1000000
EMBED_DIM = 64

def setup_inputs(seed: int = 0) -> dict:
    key = jax.random.key(seed)
    k1, k2 = jax.random.split(key)
    tokens = jax.random.randint(k1, (16384, 50), 0, VOCAB, dtype=jnp.int64 if jax.config.jax_enable_x64 else jnp.int32)
    table = jax.random.normal(k2, (VOCAB, EMBED_DIM), dtype=jnp.float32)
    return {"tokens": tokens, "table": table}

def reference(tokens, table):
    emb = jnp.take(table, tokens, axis=0)
    return emb * math.sqrt(EMBED_DIM)

if __name__ == "__main__":
    import jax
    _d = setup_inputs()
    print(jax.jit(kernel)(*tuple(_d.values())))

</pallas_src>

<mosaic_0001>
#map = affine_map<(d0, d1) -> (0, 0)>
#map1 = affine_map<(d0, d1) -> (0)>
#map2 = affine_map<(d0, d1) -> (0, 0, 0)>
module attributes {stable_mosaic.version = 14 : i64} {
  func.func @_emb_body(%arg0: i32, %arg1: i32, %arg2: memref<1000000x128xf32, #tpu.memory_space<hbm>>, %arg3: memref<819200xi32, #tpu.memory_space<hbm>>, %arg4: memref<16384x50x64xf32, #tpu.memory_space<hbm>>, %arg5: memref<200xi32, #tpu.memory_space<vmem>>, %arg6: memref<200xi32, #tpu.memory_space<vmem>>, %arg7: memref<200x128xf32, #tpu.memory_space<vmem>>, %arg8: memref<200x128xf32, #tpu.memory_space<vmem>>, %arg9: memref<4x50x64xf32, #tpu.memory_space<vmem>>, %arg10: memref<4x50x64xf32, #tpu.memory_space<vmem>>, %arg11: memref<!tpu.dma_semaphore, #tpu.memory_space<semaphore_mem>>, %arg12: memref<!tpu.dma_semaphore, #tpu.memory_space<semaphore_mem>>, %arg13: memref<!tpu.dma_semaphore, #tpu.memory_space<semaphore_mem>>, %arg14: memref<!tpu.dma_semaphore, #tpu.memory_space<semaphore_mem>>) attributes {dimension_semantics = [#tpu.dimension_semantics<core_parallel>, #tpu.dimension_semantics<subcore_parallel>], iteration_bounds = array<i64: 2, 16>, scalar_prefetch = 0 : i64, scratch_operands = 10 : i64, tpu.core_type = #tpu.core_type<sc_vector_subcore>, window_params = [{transform_indices = #map}, {transform_indices = #map1}, {transform_indices = #map2}]} {
    %mul3A = arith.constant 2 : i32
    %mul3A_0 = arith.muli %arg1, %mul3A : i32
    %add3A = arith.addi %mul3A_0, %arg0 : i32
    %mul3A_1 = arith.constant 512 : i32
    %mul3A_2 = arith.muli %add3A, %mul3A_1 : i32
    %mul3A_3 = arith.constant 50 : i32
    %mul3A_4 = arith.muli %mul3A_2, %mul3A_3 : i32
    %add3A_5 = arith.constant 0 : i32
    %add3A_6 = arith.addi %mul3A_4, %add3A_5 : i32
    "tpu.region"() ({
      %run_scoped3A = tpu.sem_alloc : memref<!tpu.dma_semaphore, #tpu.memory_space<semaphore_mem>>
      %dma_start3A_29 = tpu.memref_slice %arg3[%add3A_6] : memref<819200xi32, #tpu.memory_space<hbm>> -> memref<200xi32, #tpu.memory_space<hbm>>
      %dma_start3A_30 = tpu.memref_slice %arg3[%add3A_6] : memref<819200xi32, #tpu.memory_space<hbm>> -> memref<200xi32, #tpu.memory_space<hbm>>
      tpu.enqueue_dma source(%dma_start3A_30 : memref<200xi32, #tpu.memory_space<hbm>>) target(%arg5 : memref<200xi32, #tpu.memory_space<vmem>>) target_semaphore(%run_scoped3A : memref<!tpu.dma_semaphore, #tpu.memory_space<semaphore_mem>>)
      %dma_wait3A_31 = tpu.memref_slice %arg3[%add3A_6] : memref<819200xi32, #tpu.memory_space<hbm>> -> memref<200xi32, #tpu.memory_space<hbm>>
      %dma_wait3A_32 = tpu.memref_slice %arg3[%add3A_6] : memref<819200xi32, #tpu.memory_space<hbm>> -> memref<200xi32, #tpu.memory_space<hbm>>
      tpu.wait_dma2 semaphore(%run_scoped3A : memref<!tpu.dma_semaphore, #tpu.memory_space<semaphore_mem>>) src(%dma_wait3A_32 : memref<200xi32, #tpu.memory_space<hbm>>) dst(%arg5 : memref<200xi32, #tpu.memory_space<vmem>>)
      tpu.yield
    }) : () -> ()
    %dma_start3A = arith.constant 0 : i32
    %dma_start3A_7 = arith.constant 0 : i32
    %dma_start3A_8 = tpu.memref_slice %arg2[%dma_start3A, %dma_start3A_7] : memref<1000000x128xf32, #tpu.memory_space<hbm>> -> memref<1000000x128xf32, #tpu.memory_space<hbm>>
    tpu.enqueue_indirect_dma source(%dma_start3A_8 : memref<1000000x128xf32, #tpu.memory_space<hbm>>) target(%arg7 : memref<200x128xf32, #tpu.memory_space<vmem>>) offsets(%arg5 : memref<200xi32, #tpu.memory_space<vmem>>) semaphore(%arg11 : memref<!tpu.dma_semaphore, #tpu.memory_space<semaphore_mem>>)
    %add3A_9 = arith.constant 200 : i32
    %add3A_10 = arith.addi %mul3A_4, %add3A_9 : i32
    "tpu.region"() ({
      %run_scoped3A = tpu.sem_alloc : memref<!tpu.dma_semaphore, #tpu.memory_space<semaphore_mem>>
      %dma_start3A_29 = tpu.memref_slice %arg3[%add3A_10] : memref<819200xi32, #tpu.memory_space<hbm>> -> memref<200xi32, #tpu.memory_space<hbm>>
      %dma_start3A_30 = tpu.memref_slice %arg3[%add3A_10] : memref<819200xi32, #tpu.memory_space<hbm>> -> memref<200xi32, #tpu.memory_space<hbm>>
      tpu.enqueue_dma source(%dma_start3A_30 : memref<200xi32, #tpu.memory_space<hbm>>) target(%arg6 : memref<200xi32, #tpu.memory_space<vmem>>) target_semaphore(%run_scoped3A : memref<!tpu.dma_semaphore, #tpu.memory_space<semaphore_mem>>)
      %dma_wait3A_31 = tpu.memref_slice %arg3[%add3A_10] : memref<819200xi32, #tpu.memory_space<hbm>> -> memref<200xi32, #tpu.memory_space<hbm>>
      %dma_wait3A_32 = tpu.memref_slice %arg3[%add3A_10] : memref<819200xi32, #tpu.memory_space<hbm>> -> memref<200xi32, #tpu.memory_space<hbm>>
      tpu.wait_dma2 semaphore(%run_scoped3A : memref<!tpu.dma_semaphore, #tpu.memory_space<semaphore_mem>>) src(%dma_wait3A_32 : memref<200xi32, #tpu.memory_space<hbm>>) dst(%arg6 : memref<200xi32, #tpu.memory_space<vmem>>)
      tpu.yield
    }) : () -> ()
    %dma_start3A_11 = arith.constant 0 : i32
    %dma_start3A_12 = arith.constant 0 : i32
    %dma_start3A_13 = tpu.memref_slice %arg2[%dma_start3A_11, %dma_start3A_12] : memref<1000000x128xf32, #tpu.memory_space<hbm>> -> memref<1000000x128xf32, #tpu.memory_space<hbm>>
    tpu.enqueue_indirect_dma source(%dma_start3A_13 : memref<1000000x128xf32, #tpu.memory_space<hbm>>) target(%arg8 : memref<200x128xf32, #tpu.memory_space<vmem>>) offsets(%arg6 : memref<200xi32, #tpu.memory_space<vmem>>) semaphore(%arg12 : memref<!tpu.dma_semaphore, #tpu.memory_space<semaphore_mem>>)
    %scan3A = arith.constant 0 : i32
    %scan3A_14 = arith.constant 64 : i32
    %scan3A_15 = arith.addi %scan3A, %scan3A_14 : i32
    %scan3A_16 = arith.constant 1 : i32
    scf.for %scan3A_29 = %scan3A to %scan3A_15 step %scan3A_16  : i32 {
      %mul3A_30 = arith.constant 2 : i32
      %mul3A_31 = arith.muli %scan3A_29, %mul3A_30 : i32
      %add3A_32 = arith.constant 0 : i32
      %add3A_33 = arith.addi %add3A_32, %mul3A_31 : i32
      %add3A_34 = arith.constant 0 : i32
      %add3A_35 = arith.addi %add3A_33, %add3A_34 : i32
      %dma_wait3A_36 = arith.constant 0 : i32
      %dma_wait3A_37 = arith.constant 0 : i32
      %dma_wait3A_38 = tpu.memref_slice %arg2[%dma_wait3A_36, %dma_wait3A_37] : memref<1000000x128xf32, #tpu.memory_space<hbm>> -> memref<1000000x128xf32, #tpu.memory_space<hbm>>
      tpu.wait_indirect_dma semaphore(%arg11 : memref<!tpu.dma_semaphore, #tpu.memory_space<semaphore_mem>>) src(%dma_wait3A_38 : memref<1000000x128xf32, #tpu.memory_space<hbm>>) dst(%arg7 : memref<200x128xf32, #tpu.memory_space<vmem>>)
      %ge3A = arith.constant 2 : i32
      %ge3A_39 = arith.cmpi sge, %add3A_35, %ge3A : i32
      %convert_element_type3A = arith.extui %ge3A_39 : i1 to i32
      %cond3A = arith.constant 0 : i32
      %cond3A_40 = arith.cmpi ne, %convert_element_type3A, %cond3A : i32
      scf.if %cond3A_40 {
        %dma_wait3A_105 = arith.constant 0 : i32
        %dma_wait3A_106 = arith.constant 0 : i32
        %dma_wait3A_107 = tpu.memref_slice %arg4[%mul3A_2, %dma_wait3A_105, %dma_wait3A_106] : memref<16384x50x64xf32, #tpu.memory_space<hbm>> -> memref<4x50x64xf32, #tpu.memory_space<hbm>>
        %dma_wait3A_108 = arith.constant 0 : i32
        %dma_wait3A_109 = arith.constant 0 : i32
        %dma_wait3A_110 = tpu.memref_slice %arg4[%mul3A_2, %dma_wait3A_108, %dma_wait3A_109] : memref<16384x50x64xf32, #tpu.memory_space<hbm>> -> memref<4x50x64xf32, #tpu.memory_space<hbm>>
        tpu.wait_dma2 semaphore(%arg13 : memref<!tpu.dma_semaphore, #tpu.memory_space<semaphore_mem>>) src(%arg9 : memref<4x50x64xf32, #tpu.memory_space<vmem>>) dst(%dma_wait3A_110 : memref<4x50x64xf32, #tpu.memory_space<hbm>>)
      } else {
      }
      %parallel_loop3A = arith.constant 0 : i32
      %parallel_loop3A_41 = arith.constant 50 : i32
      %parallel_loop3A_42 = arith.constant 1 : i32
      scf.for %parallel_loop3A_105 = %parallel_loop3A to %parallel_loop3A_41 step %parallel_loop3A_42  : i32 {
        %parallel_loop3A_106 = arith.constant 0 : i32
        %parallel_loop3A_107 = arith.addi %parallel_loop3A_106, %parallel_loop3A_105 : i32
        %parallel_loop3A_108 = arith.index_cast %parallel_loop3A_107 : i32 to index
        %parallel_loop3A_109 = arith.constant 0 : index
        %parallel_loop3A_110 = tpu.vector_load %arg7[%parallel_loop3A_108, %parallel_loop3A_109] {strides = array<i32>} : memref<200x128xf32, #tpu.memory_space<vmem>>, vector<1x16xf32>,
        %parallel_loop3A_111 = vector.shape_cast %parallel_loop3A_110 : vector<1x16xf32> to vector<16xf32>
        %parallel_loop3A_112 = arith.constant 8.000000e+00 : f32
        %parallel_loop3A_113 = vector.broadcast %parallel_loop3A_112 : f32 to vector<16xf32>
        %parallel_loop3A_114 = arith.mulf %parallel_loop3A_111, %parallel_loop3A_113 : vector<16xf32>
        %parallel_loop3A_115 = arith.constant 0 : i32
        %parallel_loop3A_116 = arith.index_cast %parallel_loop3A_115 : i32 to index
        %parallel_loop3A_117 = arith.index_cast %parallel_loop3A_105 : i32 to index
        %parallel_loop3A_118 = arith.constant 0 : index
        %parallel_loop3A_119 = tpu.vector_load %arg9[%parallel_loop3A_116, %parallel_loop3A_117, %parallel_loop3A_118] {strides = array<i32>} : memref<4x50x64xf32, #tpu.memory_space<vmem>>, vector<1x1x16xf32>,
        %parallel_loop3A_120 = vector.shape_cast %parallel_loop3A_119 : vector<1x1x16xf32> to vector<16xf32>
        %parallel_loop3A_121 = vector.shape_cast %parallel_loop3A_114 : vector<16xf32> to vector<1x1x16xf32>
        tpu.vector_store %arg9[%parallel_loop3A_116, %parallel_loop3A_117, %parallel_loop3A_118], %parallel_loop3A_121 {strides = array<i32>} : memref<4x50x64xf32, #tpu.memory_space<vmem>>, vector<1x1x16xf32>,
        %parallel_loop3A_122 = arith.index_cast %parallel_loop3A_107 : i32 to index
        %parallel_loop3A_123 = arith.constant 16 : index
        %parallel_loop3A_124 = tpu.vector_load %arg7[%parallel_loop3A_122, %parallel_loop3A_123] {strides = array<i32>} : memref<200x128xf32, #tpu.memory_space<vmem>>, vector<1x16xf32>,
        %parallel_loop3A_125 = vector.shape_cast %parallel_loop3A_124 : vector<1x16xf32> to vector<16xf32>
        %parallel_loop3A_126 = arith.constant 8.000000e+00 : f32
        %parallel_loop3A_127 = vector.broadcast %parallel_loop3A_126 : f32 to vector<16xf32>
        %parallel_loop3A_128 = arith.mulf %parallel_loop3A_125, %parallel_loop3A_127 : vector<16xf32>
        %parallel_loop3A_129 = arith.constant 0 : i32
        %parallel_loop3A_130 = arith.index_cast %parallel_loop3A_129 : i32 to index
        %parallel_loop3A_131 = arith.index_cast %parallel_loop3A_105 : i32 to index
        %parallel_loop3A_132 = arith.constant 16 : index
        %parallel_loop3A_133 = tpu.vector_load %arg9[%parallel_loop3A_130, %parallel_loop3A_131, %parallel_loop3A_132] {strides = array<i32>} : memref<4x50x64xf32, #tpu.memory_space<vmem>>, vector<1x1x16xf32>,
        %parallel_loop3A_134 = vector.shape_cast %parallel_loop3A_133 : vector<1x1x16xf32> to vector<16xf32>
        %parallel_loop3A_135 = vector.shape_cast %parallel_loop3A_128 : vector<16xf32> to vector<1x1x16xf32>
        tpu.vector_store %arg9[%parallel_loop3A_130, %parallel_loop3A_131, %parallel_loop3A_132], %parallel_loop3A_135 {strides = array<i32>} : memref<4x50x64xf32, #tpu.memory_space<vmem>>, vector<1x1x16xf32>,
        %parallel_loop3A_136 = arith.index_cast %parallel_loop3A_107 : i32 to index
        %parallel_loop3A_137 = arith.constant 32 : index
        %parallel_loop3A_138 = tpu.vector_load %arg7[%parallel_loop3A_136, %parallel_loop3A_137] {strides = array<i32>} : memref<200x128xf32, #tpu.memory_space<vmem>>, vector<1x16xf32>,
        %parallel_loop3A_139 = vector.shape_cast %parallel_loop3A_138 : vector<1x16xf32> to vector<16xf32>
        %parallel_loop3A_140 = arith.constant 8.000000e+00 : f32
        %parallel_loop3A_141 = vector.broadcast %parallel_loop3A_140 : f32 to vector<16xf32>
        %parallel_loop3A_142 = arith.mulf %parallel_loop3A_139, %parallel_loop3A_141 : vector<16xf32>
        %parallel_loop3A_143 = arith.constant 0 : i32
        %parallel_loop3A_144 = arith.index_cast %parallel_loop3A_143 : i32 to index
        %parallel_loop3A_145 = arith.index_cast %parallel_loop3A_105 : i32 to index
        %parallel_loop3A_146 = arith.constant 32 : index
        %parallel_loop3A_147 = tpu.vector_load %arg9[%parallel_loop3A_144, %parallel_loop3A_145, %parallel_loop3A_146] {strides = array<i32>} : memref<4x50x64xf32, #tpu.memory_space<vmem>>, vector<1x1x16xf32>,
        %parallel_loop3A_148 = vector.shape_cast %parallel_loop3A_147 : vector<1x1x16xf32> to vector<16xf32>
        %parallel_loop3A_149 = vector.shape_cast %parallel_loop3A_142 : vector<16xf32> to vector<1x1x16xf32>
        tpu.vector_store %arg9[%parallel_loop3A_144, %parallel_loop3A_145, %parallel_loop3A_146], %parallel_loop3A_149 {strides = array<i32>} : memref<4x50x64xf32, #tpu.memory_space<vmem>>, vector<1x1x16xf32>,
        %parallel_loop3A_150 = arith.index_cast %parallel_loop3A_107 : i32 to index
        %parallel_loop3A_151 = arith.constant 48 : index
        %parallel_loop3A_152 = tpu.vector_load %arg7[%parallel_loop3A_150, %parallel_loop3A_151] {strides = array<i32>} : memref<200x128xf32, #tpu.memory_space<vmem>>, vector<1x16xf32>,
        %parallel_loop3A_153 = vector.shape_cast %parallel_loop3A_152 : vector<1x16xf32> to vector<16xf32>
        %parallel_loop3A_154 = arith.constant 8.000000e+00 : f32
        %parallel_loop3A_155 = vector.broadcast %parallel_loop3A_154 : f32 to vector<16xf32>
        %parallel_loop3A_156 = arith.mulf %parallel_loop3A_153, %parallel_loop3A_155 : vector<16xf32>
        %parallel_loop3A_157 = arith.constant 0 : i32
        %parallel_loop3A_158 = arith.index_cast %parallel_loop3A_157 : i32 to index
        %parallel_loop3A_159 = arith.index_cast %parallel_loop3A_105 : i32 to index
        %parallel_loop3A_160 = arith.constant 48 : index
        %parallel_loop3A_161 = tpu.vector_load %arg9[%parallel_loop3A_158, %parallel_loop3A_159, %parallel_loop3A_160] {strides = array<i32>} : memref<4x50x64xf32, #tpu.memory_space<vmem>>, vector<1x1x16xf32>,
        %parallel_loop3A_162 = vector.shape_cast %parallel_loop3A_161 : vector<1x1x16xf32> to vector<16xf32>
        %parallel_loop3A_163 = vector.shape_cast %parallel_loop3A_156 : vector<16xf32> to vector<1x1x16xf32>
        tpu.vector_store %arg9[%parallel_loop3A_158, %parallel_loop3A_159, %parallel_loop3A_160], %parallel_loop3A_163 {strides = array<i32>} : memref<4x50x64xf32, #tpu.memory_space<vmem>>, vector<1x1x16xf32>,
      } {sc.loop_unroll_factor = 4 : i64, sc.parallel_access}
      %parallel_loop3A_43 = arith.constant 0 : i32
      %parallel_loop3A_44 = arith.constant 50 : i32
      %parallel_loop3A_45 = arith.constant 1 : i32
      scf.for %parallel_loop3A_105 = %parallel_loop3A_43 to %parallel_loop3A_44 step %parallel_loop3A_45  : i32 {
        %parallel_loop3A_106 = arith.constant 50 : i32
        %parallel_loop3A_107 = arith.addi %parallel_loop3A_106, %parallel_loop3A_105 : i32
        %parallel_loop3A_108 = arith.index_cast %parallel_loop3A_107 : i32 to index
        %parallel_loop3A_109 = arith.constant 0 : index
        %parallel_loop3A_110 = tpu.vector_load %arg7[%parallel_loop3A_108, %parallel_loop3A_109] {strides = array<i32>} : memref<200x128xf32, #tpu.memory_space<vmem>>, vector<1x16xf32>,
        %parallel_loop3A_111 = vector.shape_cast %parallel_loop3A_110 : vector<1x16xf32> to vector<16xf32>
        %parallel_loop3A_112 = arith.constant 8.000000e+00 : f32
        %parallel_loop3A_113 = vector.broadcast %parallel_loop3A_112 : f32 to vector<16xf32>
        %parallel_loop3A_114 = arith.mulf %parallel_loop3A_111, %parallel_loop3A_113 : vector<16xf32>
        %parallel_loop3A_115 = arith.constant 1 : i32
        %parallel_loop3A_116 = arith.index_cast %parallel_loop3A_115 : i32 to index
        %parallel_loop3A_117 = arith.index_cast %parallel_loop3A_105 : i32 to index
        %parallel_loop3A_118 = arith.constant 0 : index
        %parallel_loop3A_119 = tpu.vector_load %arg9[%parallel_loop3A_116, %parallel_loop3A_117, %parallel_loop3A_118] {strides = array<i32>} : memref<4x50x64xf32, #tpu.memory_space<vmem>>, vector<1x1x16xf32>,
        %parallel_loop3A_120 = vector.shape_cast %parallel_loop3A_119 : vector<1x1x16xf32> to vector<16xf32>
        %parallel_loop3A_121 = vector.shape_cast %parallel_loop3A_114 : vector<16xf32> to vector<1x1x16xf32>
        tpu.vector_store %arg9[%parallel_loop3A_116, %parallel_loop3A_117, %parallel_loop3A_118], %parallel_loop3A_121 {strides = array<i32>} : memref<4x50x64xf32, #tpu.memory_space<vmem>>, vector<1x1x16xf32>,
        %parallel_loop3A_122 = arith.index_cast %parallel_loop3A_107 : i32 to index
        %parallel_loop3A_123 = arith.constant 16 : index
        %parallel_loop3A_124 = tpu.vector_load %arg7[%parallel_loop3A_122, %parallel_loop3A_123] {strides = array<i32>} : memref<200x128xf32, #tpu.memory_space<vmem>>, vector<1x16xf32>,
        %parallel_loop3A_125 = vector.shape_cast %parallel_loop3A_124 : vector<1x16xf32> to vector<16xf32>
        %parallel_loop3A_126 = arith.constant 8.000000e+00 : f32
        %parallel_loop3A_127 = vector.broadcast %parallel_loop3A_126 : f32 to vector<16xf32>
        %parallel_loop3A_128 = arith.mulf %parallel_loop3A_125, %parallel_loop3A_127 : vector<16xf32>
        %parallel_loop3A_129 = arith.constant 1 : i32
        %parallel_loop3A_130 = arith.index_cast %parallel_loop3A_129 : i32 to index
        %parallel_loop3A_131 = arith.index_cast %parallel_loop3A_105 : i32 to index
        %parallel_loop3A_132 = arith.constant 16 : index
        %parallel_loop3A_133 = tpu.vector_load %arg9[%parallel_loop3A_130, %parallel_loop3A_131, %parallel_loop3A_132] {strides = array<i32>} : memref<4x50x64xf32, #tpu.memory_space<vmem>>, vector<1x1x16xf32>,
        %parallel_loop3A_134 = vector.shape_cast %parallel_loop3A_133 : vector<1x1x16xf32> to vector<16xf32>
        %parallel_loop3A_135 = vector.shape_cast %parallel_loop3A_128 : vector<16xf32> to vector<1x1x16xf32>
        tpu.vector_store %arg9[%parallel_loop3A_130, %parallel_loop3A_131, %parallel_loop3A_132], %parallel_loop3A_135 {strides = array<i32>} : memref<4x50x64xf32, #tpu.memory_space<vmem>>, vector<1x1x16xf32>,
        %parallel_loop3A_136 = arith.index_cast %parallel_loop3A_107 : i32 to index
        %parallel_loop3A_137 = arith.constant 32 : index
        %parallel_loop3A_138 = tpu.vector_load %arg7[%parallel_loop3A_136, %parallel_loop3A_137] {strides = array<i32>} : memref<200x128xf32, #tpu.memory_space<vmem>>, vector<1x16xf32>,
        %parallel_loop3A_139 = vector.shape_cast %parallel_loop3A_138 : vector<1x16xf32> to vector<16xf32>
        %parallel_loop3A_140 = arith.constant 8.000000e+00 : f32
        %parallel_loop3A_141 = vector.broadcast %parallel_loop3A_140 : f32 to vector<16xf32>
        %parallel_loop3A_142 = arith.mulf %parallel_loop3A_139, %parallel_loop3A_141 : vector<16xf32>
        %parallel_loop3A_143 = arith.constant 1 : i32
        %parallel_loop3A_144 = arith.index_cast %parallel_loop3A_143 : i32 to index
        %parallel_loop3A_145 = arith.index_cast %parallel_loop3A_105 : i32 to index
        %parallel_loop3A_146 = arith.constant 32 : index
        %parallel_loop3A_147 = tpu.vector_load %arg9[%parallel_loop3A_144, %parallel_loop3A_145, %parallel_loop3A_146] {strides = array<i32>} : memref<4x50x64xf32, #tpu.memory_space<vmem>>, vector<1x1x16xf32>,
        %parallel_loop3A_148 = vector.shape_cast %parallel_loop3A_147 : vector<1x1x16xf32> to vector<16xf32>
        %parallel_loop3A_149 = vector.shape_cast %parallel_loop3A_142 : vector<16xf32> to vector<1x1x16xf32>
        tpu.vector_store %arg9[%parallel_loop3A_144, %parallel_loop3A_145, %parallel_loop3A_146], %parallel_loop3A_149 {strides = array<i32>} : memref<4x50x64xf32, #tpu.memory_space<vmem>>, vector<1x1x16xf32>,
        %parallel_loop3A_150 = arith.index_cast %parallel_loop3A_107 : i32 to index
        %parallel_loop3A_151 = arith.constant 48 : index
        %parallel_loop3A_152 = tpu.vector_load %arg7[%parallel_loop3A_150, %parallel_loop3A_151] {strides = array<i32>} : memref<200x128xf32, #tpu.memory_space<vmem>>, vector<1x16xf32>,
        %parallel_loop3A_153 = vector.shape_cast %parallel_loop3A_152 : vector<1x16xf32> to vector<16xf32>
        %parallel_loop3A_154 = arith.constant 8.000000e+00 : f32
        %parallel_loop3A_155 = vector.broadcast %parallel_loop3A_154 : f32 to vector<16xf32>
        %parallel_loop3A_156 = arith.mulf %parallel_loop3A_153, %parallel_loop3A_155 : vector<16xf32>
        %parallel_loop3A_157 = arith.constant 1 : i32
        %parallel_loop3A_158 = arith.index_cast %parallel_loop3A_157 : i32 to index
        %parallel_loop3A_159 = arith.index_cast %parallel_loop3A_105 : i32 to index
        %parallel_loop3A_160 = arith.constant 48 : index
        %parallel_loop3A_161 = tpu.vector_load %arg9[%parallel_loop3A_158, %parallel_loop3A_159, %parallel_loop3A_160] {strides = array<i32>} : memref<4x50x64xf32, #tpu.memory_space<vmem>>, vector<1x1x16xf32>,
        %parallel_loop3A_162 = vector.shape_cast %parallel_loop3A_161 : vector<1x1x16xf32> to vector<16xf32>
        %parallel_loop3A_163 = vector.shape_cast %parallel_loop3A_156 : vector<16xf32> to vector<1x1x16xf32>
        tpu.vector_store %arg9[%parallel_loop3A_158, %parallel_loop3A_159, %parallel_loop3A_160], %parallel_loop3A_163 {strides = array<i32>} : memref<4x50x64xf32, #tpu.memory_space<vmem>>, vector<1x1x16xf32>,
      } {sc.loop_unroll_factor = 4 : i64, sc.parallel_access}
      %parallel_loop3A_46 = arith.constant 0 : i32
      %parallel_loop3A_47 = arith.constant 50 : i32
      %parallel_loop3A_48 = arith.constant 1 : i32
      scf.for %parallel_loop3A_105 = %parallel_loop3A_46 to %parallel_loop3A_47 step %parallel_loop3A_48  : i32 {
        %parallel_loop3A_106 = arith.constant 100 : i32
        %parallel_loop3A_107 = arith.addi %parallel_loop3A_106, %parallel_loop3A_105 : i32
        %parallel_loop3A_108 = arith.index_cast %parallel_loop3A_107 : i32 to index
        %parallel_loop3A_109 = arith.constant 0 : index
        %parallel_loop3A_110 = tpu.vector_load %arg7[%parallel_loop3A_108, %parallel_loop3A_109] {strides = array<i32>} : memref<200x128xf32, #tpu.memory_space<vmem>>, vector<1x16xf32>,
        %parallel_loop3A_111 = vector.shape_cast %parallel_loop3A_110 : vector<1x16xf32> to vector<16xf32>
        %parallel_loop3A_112 = arith.constant 8.000000e+00 : f32
        %parallel_loop3A_113 = vector.broadcast %parallel_loop3A_112 : f32 to vector<16xf32>
        %parallel_loop3A_114 = arith.mulf %parallel_loop3A_111, %parallel_loop3A_113 : vector<16xf32>
        %parallel_loop3A_115 = arith.constant 2 : i32
        %parallel_loop3A_116 = arith.index_cast %parallel_loop3A_115 : i32 to index
        %parallel_loop3A_117 = arith.index_cast %parallel_loop3A_105 : i32 to index
        %parallel_loop3A_118 = arith.constant 0 : index
        %parallel_loop3A_119 = tpu.vector_load %arg9[%parallel_loop3A_116, %parallel_loop3A_117, %parallel_loop3A_118] {strides = array<i32>} : memref<4x50x64xf32, #tpu.memory_space<vmem>>, vector<1x1x16xf32>,
        %parallel_loop3A_120 = vector.shape_cast %parallel_loop3A_119 : vector<1x1x16xf32> to vector<16xf32>
        %parallel_loop3A_121 = vector.shape_cast %parallel_loop3A_114 : vector<16xf32> to vector<1x1x16xf32>
        tpu.vector_store %arg9[%parallel_loop3A_116, %parallel_loop3A_117, %parallel_loop3A_118], %parallel_loop3A_121 {strides = array<i32>} : memref<4x50x64xf32, #tpu.memory_space<vmem>>, vector<1x1x16xf32>,
        %parallel_loop3A_122 = arith.index_cast %parallel_loop3A_107 : i32 to index
        %parallel_loop3A_123 = arith.constant 16 : index
        %parallel_loop3A_124 = tpu.vector_load %arg7[%parallel_loop3A_122, %parallel_loop3A_123] {strides = array<i32>} : memref<200x128xf32, #tpu.memory_space<vmem>>, vector<1x16xf32>,
        %parallel_loop3A_125 = vector.shape_cast %parallel_loop3A_124 : vector<1x16xf32> to vector<16xf32>
        %parallel_loop3A_126 = arith.constant 8.000000e+00 : f32
        %parallel_loop3A_127 = vector.broadcast %parallel_loop3A_126 : f32 to vector<16xf32>
        %parallel_loop3A_128 = arith.mulf %parallel_loop3A_125, %parallel_loop3A_127 : vector<16xf32>
        %parallel_loop3A_129 = arith.constant 2 : i32
        %parallel_loop3A_130 = arith.index_cast %parallel_loop3A_129 : i32 to index
        %parallel_loop3A_131 = arith.index_cast %parallel_loop3A_105 : i32 to index
        %parallel_loop3A_132 = arith.constant 16 : index
        %parallel_loop3A_133 = tpu.vector_load %arg9[%parallel_loop3A_130, %parallel_loop3A_131, %parallel_loop3A_132] {strides = array<i32>} : memref<4x50x64xf32, #tpu.memory_space<vmem>>, vector<1x1x16xf32>,
        %parallel_loop3A_134 = vector.shape_cast %parallel_loop3A_133 : vector<1x1x16xf32> to vector<16xf32>
        %parallel_loop3A_135 = vector.shape_cast %parallel_loop3A_128 : vector<16xf32> to vector<1x1x16xf32>
        tpu.vector_store %arg9[%parallel_loop3A_130, %parallel_loop3A_131, %parallel_loop3A_132], %parallel_loop3A_135 {strides = array<i32>} : memref<4x50x64xf32, #tpu.memory_space<vmem>>, vector<1x1x16xf32>,
        %parallel_loop3A_136 = arith.index_cast %parallel_loop3A_107 : i32 to index
        %parallel_loop3A_137 = arith.constant 32 : index
        %parallel_loop3A_138 = tpu.vector_load %arg7[%parallel_loop3A_136, %parallel_loop3A_137] {strides = array<i32>} : memref<200x128xf32, #tpu.memory_space<vmem>>, vector<1x16xf32>,
        %parallel_loop3A_139 = vector.shape_cast %parallel_loop3A_138 : vector<1x16xf32> to vector<16xf32>
        %parallel_loop3A_140 = arith.constant 8.000000e+00 : f32
        %parallel_loop3A_141 = vector.broadcast %parallel_loop3A_140 : f32 to vector<16xf32>
        %parallel_loop3A_142 = arith.mulf %parallel_loop3A_139, %parallel_loop3A_141 : vector<16xf32>
        %parallel_loop3A_143 = arith.constant 2 : i32
        %parallel_loop3A_144 = arith.index_cast %parallel_loop3A_143 : i32 to index
        %parallel_loop3A_145 = arith.index_cast %parallel_loop3A_105 : i32 to index
        %parallel_loop3A_146 = arith.constant 32 : index
        %parallel_loop3A_147 = tpu.vector_load %arg9[%parallel_loop3A_144, %parallel_loop3A_145, %parallel_loop3A_146] {strides = array<i32>} : memref<4x50x64xf32, #tpu.memory_space<vmem>>, vector<1x1x16xf32>,
        %parallel_loop3A_148 = vector.shape_cast %parallel_loop3A_147 : vector<1x1x16xf32> to vector<16xf32>
        %parallel_loop3A_149 = vector.shape_cast %parallel_loop3A_142 : vector<16xf32> to vector<1x1x16xf32>
        tpu.vector_store %arg9[%parallel_loop3A_144, %parallel_loop3A_145, %parallel_loop3A_146], %parallel_loop3A_149 {strides = array<i32>} : memref<4x50x64xf32, #tpu.memory_space<vmem>>, vector<1x1x16xf32>,
        %parallel_loop3A_150 = arith.index_cast %parallel_loop3A_107 : i32 to index
        %parallel_loop3A_151 = arith.constant 48 : index
        %parallel_loop3A_152 = tpu.vector_load %arg7[%parallel_loop3A_150, %parallel_loop3A_151] {strides = array<i32>} : memref<200x128xf32, #tpu.memory_space<vmem>>, vector<1x16xf32>,
        %parallel_loop3A_153 = vector.shape_cast %parallel_loop3A_152 : vector<1x16xf32> to vector<16xf32>
        %parallel_loop3A_154 = arith.constant 8.000000e+00 : f32
        %parallel_loop3A_155 = vector.broadcast %parallel_loop3A_154 : f32 to vector<16xf32>
        %parallel_loop3A_156 = arith.mulf %parallel_loop3A_153, %parallel_loop3A_155 : vector<16xf32>
        %parallel_loop3A_157 = arith.constant 2 : i32
        %parallel_loop3A_158 = arith.index_cast %parallel_loop3A_157 : i32 to index
        %parallel_loop3A_159 = arith.index_cast %parallel_loop3A_105 : i32 to index
        %parallel_loop3A_160 = arith.constant 48 : index
        %parallel_loop3A_161 = tpu.vector_load %arg9[%parallel_loop3A_158, %parallel_loop3A_159, %parallel_loop3A_160] {strides = array<i32>} : memref<4x50x64xf32, #tpu.memory_space<vmem>>, vector<1x1x16xf32>,
        %parallel_loop3A_162 = vector.shape_cast %parallel_loop3A_161 : vector<1x1x16xf32> to vector<16xf32>
        %parallel_loop3A_163 = vector.shape_cast %parallel_loop3A_156 : vector<16xf32> to vector<1x1x16xf32>
        tpu.vector_store %arg9[%parallel_loop3A_158, %parallel_loop3A_159, %parallel_loop3A_160], %parallel_loop3A_163 {strides = array<i32>} : memref<4x50x64xf32, #tpu.memory_space<vmem>>, vector<1x1x16xf32>,
      } {sc.loop_unroll_factor = 4 : i64, sc.parallel_access}
      %parallel_loop3A_49 = arith.constant 0 : i32
      %parallel_loop3A_50 = arith.constant 50 : i32
      %parallel_loop3A_51 = arith.constant 1 : i32
      scf.for %parallel_loop3A_105 = %parallel_loop3A_49 to %parallel_loop3A_50 step %parallel_loop3A_51  : i32 {
        %parallel_loop3A_106 = arith.constant 150 : i32
        %parallel_loop3A_107 = arith.addi %parallel_loop3A_106, %parallel_loop3A_105 : i32
        %parallel_loop3A_108 = arith.index_cast %parallel_loop3A_107 : i32 to index
        %parallel_loop3A_109 = arith.constant 0 : index
        %parallel_loop3A_110 = tpu.vector_load %arg7[%parallel_loop3A_108, %parallel_loop3A_109] {strides = array<i32>} : memref<200x128xf32, #tpu.memory_space<vmem>>, vector<1x16xf32>,
        %parallel_loop3A_111 = vector.shape_cast %parallel_loop3A_110 : vector<1x16xf32> to vector<16xf32>
        %parallel_loop3A_112 = arith.constant 8.000000e+00 : f32
        %parallel_loop3A_113 = vector.broadcast %parallel_loop3A_112 : f32 to vector<16xf32>
        %parallel_loop3A_114 = arith.mulf %parallel_loop3A_111, %parallel_loop3A_113 : vector<16xf32>
        %parallel_loop3A_115 = arith.constant 3 : i32
        %parallel_loop3A_116 = arith.index_cast %parallel_loop3A_115 : i32 to index
        %parallel_loop3A_117 = arith.index_cast %parallel_loop3A_105 : i32 to index
        %parallel_loop3A_118 = arith.constant 0 : index
        %parallel_loop3A_119 = tpu.vector_load %arg9[%parallel_loop3A_116, %parallel_loop3A_117, %parallel_loop3A_118] {strides = array<i32>} : memref<4x50x64xf32, #tpu.memory_space<vmem>>, vector<1x1x16xf32>,
        %parallel_loop3A_120 = vector.shape_cast %parallel_loop3A_119 : vector<1x1x16xf32> to vector<16xf32>
        %parallel_loop3A_121 = vector.shape_cast %parallel_loop3A_114 : vector<16xf32> to vector<1x1x16xf32>
        tpu.vector_store %arg9[%parallel_loop3A_116, %parallel_loop3A_117, %parallel_loop3A_118], %parallel_loop3A_121 {strides = array<i32>} : memref<4x50x64xf32, #tpu.memory_space<vmem>>, vector<1x1x16xf32>,
        %parallel_loop3A_122 = arith.index_cast %parallel_loop3A_107 : i32 to index
        %parallel_loop3A_123 = arith.constant 16 : index
        %parallel_loop3A_124 = tpu.vector_load %arg7[%parallel_loop3A_122, %parallel_loop3A_123] {strides = array<i32>} : memref<200x128xf32, #tpu.memory_space<vmem>>, vector<1x16xf32>,
        %parallel_loop3A_125 = vector.shape_cast %parallel_loop3A_124 : vector<1x16xf32> to vector<16xf32>
        %parallel_loop3A_126 = arith.constant 8.000000e+00 : f32
        %parallel_loop3A_127 = vector.broadcast %parallel_loop3A_126 : f32 to vector<16xf32>
        %parallel_loop3A_128 = arith.mulf %parallel_loop3A_125, %parallel_loop3A_127 : vector<16xf32>
        %parallel_loop3A_129 = arith.constant 3 : i32
        %parallel_loop3A_130 = arith.index_cast %parallel_loop3A_129 : i32 to index
        %parallel_loop3A_131 = arith.index_cast %parallel_loop3A_105 : i32 to index
        %parallel_loop3A_132 = arith.constant 16 : index
        %parallel_loop3A_133 = tpu.vector_load %arg9[%parallel_loop3A_130, %parallel_loop3A_131, %parallel_loop3A_132] {strides = array<i32>} : memref<4x50x64xf32, #tpu.memory_space<vmem>>, vector<1x1x16xf32>,
        %parallel_loop3A_134 = vector.shape_cast %parallel_loop3A_133 : vector<1x1x16xf32> to vector<16xf32>
        %parallel_loop3A_135 = vector.shape_cast %parallel_loop3A_128 : vector<16xf32> to vector<1x1x16xf32>
        tpu.vector_store %arg9[%parallel_loop3A_130, %parallel_loop3A_131, %parallel_loop3A_132], %parallel_loop3A_135 {strides = array<i32>} : memref<4x50x64xf32, #tpu.memory_space<vmem>>, vector<1x1x16xf32>,
        %parallel_loop3A_136 = arith.index_cast %parallel_loop3A_107 : i32 to index
        %parallel_loop3A_137 = arith.constant 32 : index
        %parallel_loop3A_138 = tpu.vector_load %arg7[%parallel_loop3A_136, %parallel_loop3A_137] {strides = array<i32>} : memref<200x128xf32, #tpu.memory_space<vmem>>, vector<1x16xf32>,
        %parallel_loop3A_139 = vector.shape_cast %parallel_loop3A_138 : vector<1x16xf32> to vector<16xf32>
        %parallel_loop3A_140 = arith.constant 8.000000e+00 : f32
        %parallel_loop3A_141 = vector.broadcast %parallel_loop3A_140 : f32 to vector<16xf32>
        %parallel_loop3A_142 = arith.mulf %parallel_loop3A_139, %parallel_loop3A_141 : vector<16xf32>
        %parallel_loop3A_143 = arith.constant 3 : i32
        %parallel_loop3A_144 = arith.index_cast %parallel_loop3A_143 : i32 to index
        %parallel_loop3A_145 = arith.index_cast %parallel_loop3A_105 : i32 to index
        %parallel_loop3A_146 = arith.constant 32 : index
        %parallel_loop3A_147 = tpu.vector_load %arg9[%parallel_loop3A_144, %parallel_loop3A_145, %parallel_loop3A_146] {strides = array<i32>} : memref<4x50x64xf32, #tpu.memory_space<vmem>>, vector<1x1x16xf32>,
        %parallel_loop3A_148 = vector.shape_cast %parallel_loop3A_147 : vector<1x1x16xf32> to vector<16xf32>
        %parallel_loop3A_149 = vector.shape_cast %parallel_loop3A_142 : vector<16xf32> to vector<1x1x16xf32>
        tpu.vector_store %arg9[%parallel_loop3A_144, %parallel_loop3A_145, %parallel_loop3A_146], %parallel_loop3A_149 {strides = array<i32>} : memref<4x50x64xf32, #tpu.memory_space<vmem>>, vector<1x1x16xf32>,
        %parallel_loop3A_150 = arith.index_cast %parallel_loop3A_107 : i32 to index
        %parallel_loop3A_151 = arith.constant 48 : index
        %parallel_loop3A_152 = tpu.vector_load %arg7[%parallel_loop3A_150, %parallel_loop3A_151] {strides = array<i32>} : memref<200x128xf32, #tpu.memory_space<vmem>>, vector<1x16xf32>,
        %parallel_loop3A_153 = vector.shape_cast %parallel_loop3A_152 : vector<1x16xf32> to vector<16xf32>
        %parallel_loop3A_154 = arith.constant 8.000000e+00 : f32
        %parallel_loop3A_155 = vector.broadcast %parallel_loop3A_154 : f32 to vector<16xf32>
        %parallel_loop3A_156 = arith.mulf %parallel_loop3A_153, %parallel_loop3A_155 : vector<16xf32>
        %parallel_loop3A_157 = arith.constant 3 : i32
        %parallel_loop3A_158 = arith.index_cast %parallel_loop3A_157 : i32 to index
        %parallel_loop3A_159 = arith.index_cast %parallel_loop3A_105 : i32 to index
        %parallel_loop3A_160 = arith.constant 48 : index
        %parallel_loop3A_161 = tpu.vector_load %arg9[%parallel_loop3A_158, %parallel_loop3A_159, %parallel_loop3A_160] {strides = array<i32>} : memref<4x50x64xf32, #tpu.memory_space<vmem>>, vector<1x1x16xf32>,
        %parallel_loop3A_162 = vector.shape_cast %parallel_loop3A_161 : vector<1x1x16xf32> to vector<16xf32>
        %parallel_loop3A_163 = vector.shape_cast %parallel_loop3A_156 : vector<16xf32> to vector<1x1x16xf32>
        tpu.vector_store %arg9[%parallel_loop3A_158, %parallel_loop3A_159, %parallel_loop3A_160], %parallel_loop3A_163 {strides = array<i32>} : memref<4x50x64xf32, #tpu.memory_space<vmem>>, vector<1x1x16xf32>,
      } {sc.loop_unroll_factor = 4 : i64, sc.parallel_access}
      %mul3A_52 = arith.constant 4 : i32
      %mul3A_53 = arith.muli %add3A_35, %mul3A_52 : i32
      %add3A_54 = arith.addi %mul3A_2, %mul3A_53 : i32
      %dma_start3A_55 = arith.constant 0 : i32
      %dma_start3A_56 = arith.constant 0 : i32
      %dma_start3A_57 = tpu.memref_slice %arg4[%add3A_54, %dma_start3A_55, %dma_start3A_56] : memref<16384x50x64xf32, #tpu.memory_space<hbm>> -> memref<4x50x64xf32, #tpu.memory_space<hbm>>
      %dma_start3A_58 = arith.constant 0 : i32
      %dma_start3A_59 = arith.constant 0 : i32
      %dma_start3A_60 = tpu.memref_slice %arg4[%add3A_54, %dma_start3A_58, %dma_start3A_59] : memref<16384x50x64xf32, #tpu.memory_space<hbm>> -> memref<4x50x64xf32, #tpu.memory_space<hbm>>
      tpu.enqueue_dma source(%arg9 : memref<4x50x64xf32, #tpu.memory_space<vmem>>) target(%dma_start3A_60 : memref<4x50x64xf32, #tpu.memory_space<hbm>>) target_semaphore(%arg13 : memref<!tpu.dma_semaphore, #tpu.memory_space<semaphore_mem>>)
      %add3A_61 = arith.constant 2 : i32
      %add3A_62 = arith.addi %add3A_35, %add3A_61 : i32
      %lt3A = arith.constant 128 : i32
      %lt3A_63 = arith.cmpi slt, %add3A_62, %lt3A : i32
      %convert_element_type3A_64 = arith.extui %lt3A_63 : i1 to i32
      %cond3A_65 = arith.constant 0 : i32
      %cond3A_66 = arith.cmpi ne, %convert_element_type3A_64, %cond3A_65 : i32
      scf.if %cond3A_66 {
        %add3A_105 = arith.constant 2 : i32
        %add3A_106 = arith.addi %add3A_35, %add3A_105 : i32
        %mul3A_107 = arith.constant 200 : i32
        %mul3A_108 = arith.muli %add3A_106, %mul3A_107 : i32
        %add3A_109 = arith.addi %mul3A_4, %mul3A_108 : i32
        "tpu.region"() ({
          %run_scoped3A = tpu.sem_alloc : memref<!tpu.dma_semaphore, #tpu.memory_space<semaphore_mem>>
          %dma_start3A_113 = tpu.memref_slice %arg3[%add3A_109] : memref<819200xi32, #tpu.memory_space<hbm>> -> memref<200xi32, #tpu.memory_space<hbm>>
          %dma_start3A_114 = tpu.memref_slice %arg3[%add3A_109] : memref<819200xi32, #tpu.memory_space<hbm>> -> memref<200xi32, #tpu.memory_space<hbm>>
          tpu.enqueue_dma source(%dma_start3A_114 : memref<200xi32, #tpu.memory_space<hbm>>) target(%arg5 : memref<200xi32, #tpu.memory_space<vmem>>) target_semaphore(%run_scoped3A : memref<!tpu.dma_semaphore, #tpu.memory_space<semaphore_mem>>)
          %dma_wait3A_115 = tpu.memref_slice %arg3[%add3A_109] : memref<819200xi32, #tpu.memory_space<hbm>> -> memref<200xi32, #tpu.memory_space<hbm>>
          %dma_wait3A_116 = tpu.memref_slice %arg3[%add3A_109] : memref<819200xi32, #tpu.memory_space<hbm>> -> memref<200xi32, #tpu.memory_space<hbm>>
          tpu.wait_dma2 semaphore(%run_scoped3A : memref<!tpu.dma_semaphore, #tpu.memory_space<semaphore_mem>>) src(%dma_wait3A_116 : memref<200xi32, #tpu.memory_space<hbm>>) dst(%arg5 : memref<200xi32, #tpu.memory_space<vmem>>)
          tpu.yield
        }) : () -> ()
        %dma_start3A_110 = arith.constant 0 : i32
        %dma_start3A_111 = arith.constant 0 : i32
        %dma_start3A_112 = tpu.memref_slice %arg2[%dma_start3A_110, %dma_start3A_111] : memref<1000000x128xf32, #tpu.memory_space<hbm>> -> memref<1000000x128xf32, #tpu.memory_space<hbm>>
        tpu.enqueue_indirect_dma source(%dma_start3A_112 : memref<1000000x128xf32, #tpu.memory_space<hbm>>) target(%arg7 : memref<200x128xf32, #tpu.memory_space<vmem>>) offsets(%arg5 : memref<200xi32, #tpu.memory_space<vmem>>) semaphore(%arg11 : memref<!tpu.dma_semaphore, #tpu.memory_space<semaphore_mem>>)
      } else {
      }
      %add3A_67 = arith.constant 1 : i32
      %add3A_68 = arith.addi %add3A_33, %add3A_67 : i32
      %dma_wait3A_69 = arith.constant 0 : i32
      %dma_wait3A_70 = arith.constant 0 : i32
      %dma_wait3A_71 = tpu.memref_slice %arg2[%dma_wait3A_69, %dma_wait3A_70] : memref<1000000x128xf32, #tpu.memory_space<hbm>> -> memref<1000000x128xf32, #tpu.memory_space<hbm>>
      tpu.wait_indirect_dma semaphore(%arg12 : memref<!tpu.dma_semaphore, #tpu.memory_space<semaphore_mem>>) src(%dma_wait3A_71 : memref<1000000x128xf32, #tpu.memory_space<hbm>>) dst(%arg8 : memref<200x128xf32, #tpu.memory_space<vmem>>)
      %ge3A_72 = arith.constant 2 : i32
      %ge3A_73 = arith.cmpi sge, %add3A_68, %ge3A_72 : i32
      %convert_element_type3A_74 = arith.extui %ge3A_73 : i1 to i32
      %cond3A_75 = arith.constant 0 : i32
      %cond3A_76 = arith.cmpi ne, %convert_element_type3A_74, %cond3A_75 : i32
      scf.if %cond3A_76 {
        %dma_wait3A_105 = arith.constant 0 : i32
        %dma_wait3A_106 = arith.constant 0 : i32
        %dma_wait3A_107 = tpu.memref_slice %arg4[%mul3A_2, %dma_wait3A_105, %dma_wait3A_106] : memref<16384x50x64xf32, #tpu.memory_space<hbm>> -> memref<4x50x64xf32, #tpu.memory_space<hbm>>
        %dma_wait3A_108 = arith.constant 0 : i32
        %dma_wait3A_109 = arith.constant 0 : i32
        %dma_wait3A_110 = tpu.memref_slice %arg4[%mul3A_2, %dma_wait3A_108, %dma_wait3A_109] : memref<16384x50x64xf32, #tpu.memory_space<hbm>> -> memref<4x50x64xf32, #tpu.memory_space<hbm>>
        tpu.wait_dma2 semaphore(%arg14 : memref<!tpu.dma_semaphore, #tpu.memory_space<semaphore_mem>>) src(%arg10 : memref<4x50x64xf32, #tpu.memory_space<vmem>>) dst(%dma_wait3A_110 : memref<4x50x64xf32, #tpu.memory_space<hbm>>)
      } else {
      }
      %parallel_loop3A_77 = arith.constant 0 : i32
      %parallel_loop3A_78 = arith.constant 50 : i32
      %parallel_loop3A_79 = arith.constant 1 : i32
      scf.for %parallel_loop3A_105 = %parallel_loop3A_77 to %parallel_loop3A_78 step %parallel_loop3A_79  : i32 {
        %parallel_loop3A_106 = arith.constant 0 : i32
        %parallel_loop3A_107 = arith.addi %parallel_loop3A_106, %parallel_loop3A_105 : i32
        %parallel_loop3A_108 = arith.index_cast %parallel_loop3A_107 : i32 to index
        %parallel_loop3A_109 = arith.constant 0 : index
        %parallel_loop3A_110 = tpu.vector_load %arg8[%parallel_loop3A_108, %parallel_loop3A_109] {strides = array<i32>} : memref<200x128xf32, #tpu.memory_space<vmem>>, vector<1x16xf32>,
        %parallel_loop3A_111 = vector.shape_cast %parallel_loop3A_110 : vector<1x16xf32> to vector<16xf32>
        %parallel_loop3A_112 = arith.constant 8.000000e+00 : f32
        %parallel_loop3A_113 = vector.broadcast %parallel_loop3A_112 : f32 to vector<16xf32>
        %parallel_loop3A_114 = arith.mulf %parallel_loop3A_111, %parallel_loop3A_113 : vector<16xf32>
        %parallel_loop3A_115 = arith.constant 0 : i32
        %parallel_loop3A_116 = arith.index_cast %parallel_loop3A_115 : i32 to index
        %parallel_loop3A_117 = arith.index_cast %parallel_loop3A_105 : i32 to index
        %parallel_loop3A_118 = arith.constant 0 : index
        %parallel_loop3A_119 = tpu.vector_load %arg10[%parallel_loop3A_116, %parallel_loop3A_117, %parallel_loop3A_118] {strides = array<i32>} : memref<4x50x64xf32, #tpu.memory_space<vmem>>, vector<1x1x16xf32>,
        %parallel_loop3A_120 = vector.shape_cast %parallel_loop3A_119 : vector<1x1x16xf32> to vector<16xf32>
        %parallel_loop3A_121 = vector.shape_cast %parallel_loop3A_114 : vector<16xf32> to vector<1x1x16xf32>
        tpu.vector_store %arg10[%parallel_loop3A_116, %parallel_loop3A_117, %parallel_loop3A_118], %parallel_loop3A_121 {strides = array<i32>} : memref<4x50x64xf32, #tpu.memory_space<vmem>>, vector<1x1x16xf32>,
        %parallel_loop3A_122 = arith.index_cast %parallel_loop3A_107 : i32 to index
        %parallel_loop3A_123 = arith.constant 16 : index
        %parallel_loop3A_124 = tpu.vector_load %arg8[%parallel_loop3A_122, %parallel_loop3A_123] {strides = array<i32>} : memref<200x128xf32, #tpu.memory_space<vmem>>, vector<1x16xf32>,
        %parallel_loop3A_125 = vector.shape_cast %parallel_loop3A_124 : vector<1x16xf32> to vector<16xf32>
        %parallel_loop3A_126 = arith.constant 8.000000e+00 : f32
        %parallel_loop3A_127 = vector.broadcast %parallel_loop3A_126 : f32 to vector<16xf32>
        %parallel_loop3A_128 = arith.mulf %parallel_loop3A_125, %parallel_loop3A_127 : vector<16xf32>
        %parallel_loop3A_129 = arith.constant 0 : i32
        %parallel_loop3A_130 = arith.index_cast %parallel_loop3A_129 : i32 to index
        %parallel_loop3A_131 = arith.index_cast %parallel_loop3A_105 : i32 to index
        %parallel_loop3A_132 = arith.constant 16 : index
        %parallel_loop3A_133 = tpu.vector_load %arg10[%parallel_loop3A_130, %parallel_loop3A_131, %parallel_loop3A_132] {strides = array<i32>} : memref<4x50x64xf32, #tpu.memory_space<vmem>>, vector<1x1x16xf32>,
        %parallel_loop3A_134 = vector.shape_cast %parallel_loop3A_133 : vector<1x1x16xf32> to vector<16xf32>
        %parallel_loop3A_135 = vector.shape_cast %parallel_loop3A_128 : vector<16xf32> to vector<1x1x16xf32>
        tpu.vector_store %arg10[%parallel_loop3A_130, %parallel_loop3A_131, %parallel_loop3A_132], %parallel_loop3A_135 {strides = array<i32>} : memref<4x50x64xf32, #tpu.memory_space<vmem>>, vector<1x1x16xf32>,
        %parallel_loop3A_136 = arith.index_cast %parallel_loop3A_107 : i32 to index
        %parallel_loop3A_137 = arith.constant 32 : index
        %parallel_loop3A_138 = tpu.vector_load %arg8[%parallel_loop3A_136, %parallel_loop3A_137] {strides = array<i32>} : memref<200x128xf32, #tpu.memory_space<vmem>>, vector<1x16xf32>,
        %parallel_loop3A_139 = vector.shape_cast %parallel_loop3A_138 : vector<1x16xf32> to vector<16xf32>
        %parallel_loop3A_140 = arith.constant 8.000000e+00 : f32
        %parallel_loop3A_141 = vector.broadcast %parallel_loop3A_140 : f32 to vector<16xf32>
        %parallel_loop3A_142 = arith.mulf %parallel_loop3A_139, %parallel_loop3A_141 : vector<16xf32>
        %parallel_loop3A_143 = arith.constant 0 : i32
        %parallel_loop3A_144 = arith.index_cast %parallel_loop3A_143 : i32 to index
        %parallel_loop3A_145 = arith.index_cast %parallel_loop3A_105 : i32 to index
        %parallel_loop3A_146 = arith.constant 32 : index
        %parallel_loop3A_147 = tpu.vector_load %arg10[%parallel_loop3A_144, %parallel_loop3A_145, %parallel_loop3A_146] {strides = array<i32>} : memref<4x50x64xf32, #tpu.memory_space<vmem>>, vector<1x1x16xf32>,
        %parallel_loop3A_148 = vector.shape_cast %parallel_loop3A_147 : vector<1x1x16xf32> to vector<16xf32>
        %parallel_loop3A_149 = vector.shape_cast %parallel_loop3A_142 : vector<16xf32> to vector<1x1x16xf32>
        tpu.vector_store %arg10[%parallel_loop3A_144, %parallel_loop3A_145, %parallel_loop3A_146], %parallel_loop3A_149 {strides = array<i32>} : memref<4x50x64xf32, #tpu.memory_space<vmem>>, vector<1x1x16xf32>,
        %parallel_loop3A_150 = arith.index_cast %parallel_loop3A_107 : i32 to index
        %parallel_loop3A_151 = arith.constant 48 : index
        %parallel_loop3A_152 = tpu.vector_load %arg8[%parallel_loop3A_150, %parallel_loop3A_151] {strides = array<i32>} : memref<200x128xf32, #tpu.memory_space<vmem>>, vector<1x16xf32>,
        %parallel_loop3A_153 = vector.shape_cast %parallel_loop3A_152 : vector<1x16xf32> to vector<16xf32>
        %parallel_loop3A_154 = arith.constant 8.000000e+00 : f32
        %parallel_loop3A_155 = vector.broadcast %parallel_loop3A_154 : f32 to vector<16xf32>
        %parallel_loop3A_156 = arith.mulf %parallel_loop3A_153, %parallel_loop3A_155 : vector<16xf32>
        %parallel_loop3A_157 = arith.constant 0 : i32
        %parallel_loop3A_158 = arith.index_cast %parallel_loop3A_157 : i32 to index
        %parallel_loop3A_159 = arith.index_cast %parallel_loop3A_105 : i32 to index
        %parallel_loop3A_160 = arith.constant 48 : index
        %parallel_loop3A_161 = tpu.vector_load %arg10[%parallel_loop3A_158, %parallel_loop3A_159, %parallel_loop3A_160] {strides = array<i32>} : memref<4x50x64xf32, #tpu.memory_space<vmem>>, vector<1x1x16xf32>,
        %parallel_loop3A_162 = vector.shape_cast %parallel_loop3A_161 : vector<1x1x16xf32> to vector<16xf32>
        %parallel_loop3A_163 = vector.shape_cast %parallel_loop3A_156 : vector<16xf32> to vector<1x1x16xf32>
        tpu.vector_store %arg10[%parallel_loop3A_158, %parallel_loop3A_159, %parallel_loop3A_160], %parallel_loop3A_163 {strides = array<i32>} : memref<4x50x64xf32, #tpu.memory_space<vmem>>, vector<1x1x16xf32>,
      } {sc.loop_unroll_factor = 4 : i64, sc.parallel_access}
      %parallel_loop3A_80 = arith.constant 0 : i32
      %parallel_loop3A_81 = arith.constant 50 : i32
      %parallel_loop3A_82 = arith.constant 1 : i32
      scf.for %parallel_loop3A_105 = %parallel_loop3A_80 to %parallel_loop3A_81 step %parallel_loop3A_82  : i32 {
        %parallel_loop3A_106 = arith.constant 50 : i32
        %parallel_loop3A_107 = arith.addi %parallel_loop3A_106, %parallel_loop3A_105 : i32
        %parallel_loop3A_108 = arith.index_cast %parallel_loop3A_107 : i32 to index
        %parallel_loop3A_109 = arith.constant 0 : index
        %parallel_loop3A_110 = tpu.vector_load %arg8[%parallel_loop3A_108, %parallel_loop3A_109] {strides = array<i32>} : memref<200x128xf32, #tpu.memory_space<vmem>>, vector<1x16xf32>,
        %parallel_loop3A_111 = vector.shape_cast %parallel_loop3A_110 : vector<1x16xf32> to vector<16xf32>
        %parallel_loop3A_112 = arith.constant 8.000000e+00 : f32
        %parallel_loop3A_113 = vector.broadcast %parallel_loop3A_112 : f32 to vector<16xf32>
        %parallel_loop3A_114 = arith.mulf %parallel_loop3A_111, %parallel_loop3A_113 : vector<16xf32>
        %parallel_loop3A_115 = arith.constant 1 : i32
        %parallel_loop3A_116 = arith.index_cast %parallel_loop3A_115 : i32 to index
        %parallel_loop3A_117 = arith.index_cast %parallel_loop3A_105 : i32 to index
        %parallel_loop3A_118 = arith.constant 0 : index
        %parallel_loop3A_119 = tpu.vector_load %arg10[%parallel_loop3A_116, %parallel_loop3A_117, %parallel_loop3A_118] {strides = array<i32>} : memref<4x50x64xf32, #tpu.memory_space<vmem>>, vector<1x1x16xf32>,
        %parallel_loop3A_120 = vector.shape_cast %parallel_loop3A_119 : vector<1x1x16xf32> to vector<16xf32>
        %parallel_loop3A_121 = vector.shape_cast %parallel_loop3A_114 : vector<16xf32> to vector<1x1x16xf32>
        tpu.vector_store %arg10[%parallel_loop3A_116, %parallel_loop3A_117, %parallel_loop3A_118], %parallel_loop3A_121 {strides = array<i32>} : memref<4x50x64xf32, #tpu.memory_space<vmem>>, vector<1x1x16xf32>,
        %parallel_loop3A_122 = arith.index_cast %parallel_loop3A_107 : i32 to index
        %parallel_loop3A_123 = arith.constant 16 : index
        %parallel_loop3A_124 = tpu.vector_load %arg8[%parallel_loop3A_122, %parallel_loop3A_123] {strides = array<i32>} : memref<200x128xf32, #tpu.memory_space<vmem>>, vector<1x16xf32>,
        %parallel_loop3A_125 = vector.shape_cast %parallel_loop3A_124 : vector<1x16xf32> to vector<16xf32>
        %parallel_loop3A_126 = arith.constant 8.000000e+00 : f32
        %parallel_loop3A_127 = vector.broadcast %parallel_loop3A_126 : f32 to vector<16xf32>
        %parallel_loop3A_128 = arith.mulf %parallel_loop3A_125, %parallel_loop3A_127 : vector<16xf32>
        %parallel_loop3A_129 = arith.constant 1 : i32
        %parallel_loop3A_130 = arith.index_cast %parallel_loop3A_129 : i32 to index
        %parallel_loop3A_131 = arith.index_cast %parallel_loop3A_105 : i32 to index
        %parallel_loop3A_132 = arith.constant 16 : index
        %parallel_loop3A_133 = tpu.vector_load %arg10[%parallel_loop3A_130, %parallel_loop3A_131, %parallel_loop3A_132] {strides = array<i32>} : memref<4x50x64xf32, #tpu.memory_space<vmem>>, vector<1x1x16xf32>,
        %parallel_loop3A_134 = vector.shape_cast %parallel_loop3A_133 : vector<1x1x16xf32> to vector<16xf32>
        %parallel_loop3A_135 = vector.shape_cast %parallel_loop3A_128 : vector<16xf32> to vector<1x1x16xf32>
        tpu.vector_store %arg10[%parallel_loop3A_130, %parallel_loop3A_131, %parallel_loop3A_132], %parallel_loop3A_135 {strides = array<i32>} : memref<4x50x64xf32, #tpu.memory_space<vmem>>, vector<1x1x16xf32>,
        %parallel_loop3A_136 = arith.index_cast %parallel_loop3A_107 : i32 to index
        %parallel_loop3A_137 = arith.constant 32 : index
        %parallel_loop3A_138 = tpu.vector_load %arg8[%parallel_loop3A_136, %parallel_loop3A_137] {strides = array<i32>} : memref<200x128xf32, #tpu.memory_space<vmem>>, vector<1x16xf32>,
        %parallel_loop3A_139 = vector.shape_cast %parallel_loop3A_138 : vector<1x16xf32> to vector<16xf32>
        %parallel_loop3A_140 = arith.constant 8.000000e+00 : f32
        %parallel_loop3A_141 = vector.broadcast %parallel_loop3A_140 : f32 to vector<16xf32>
        %parallel_loop3A_142 = arith.mulf %parallel_loop3A_139, %parallel_loop3A_141 : vector<16xf32>
        %parallel_loop3A_143 = arith.constant 1 : i32
        %parallel_loop3A_144 = arith.index_cast %parallel_loop3A_143 : i32 to index
        %parallel_loop3A_145 = arith.index_cast %parallel_loop3A_105 : i32 to index
        %parallel_loop3A_146 = arith.constant 32 : index
        %parallel_loop3A_147 = tpu.vector_load %arg10[%parallel_loop3A_144, %parallel_loop3A_145, %parallel_loop3A_146] {strides = array<i32>} : memref<4x50x64xf32, #tpu.memory_space<vmem>>, vector<1x1x16xf32>,
        %parallel_loop3A_148 = vector.shape_cast %parallel_loop3A_147 : vector<1x1x16xf32> to vector<16xf32>
        %parallel_loop3A_149 = vector.shape_cast %parallel_loop3A_142 : vector<16xf32> to vector<1x1x16xf32>
        tpu.vector_store %arg10[%parallel_loop3A_144, %parallel_loop3A_145, %parallel_loop3A_146], %parallel_loop3A_149 {strides = array<i32>} : memref<4x50x64xf32, #tpu.memory_space<vmem>>, vector<1x1x16xf32>,
        %parallel_loop3A_150 = arith.index_cast %parallel_loop3A_107 : i32 to index
        %parallel_loop3A_151 = arith.constant 48 : index
        %parallel_loop3A_152 = tpu.vector_load %arg8[%parallel_loop3A_150, %parallel_loop3A_151] {strides = array<i32>} : memref<200x128xf32, #tpu.memory_space<vmem>>, vector<1x16xf32>,
        %parallel_loop3A_153 = vector.shape_cast %parallel_loop3A_152 : vector<1x16xf32> to vector<16xf32>
        %parallel_loop3A_154 = arith.constant 8.000000e+00 : f32
        %parallel_loop3A_155 = vector.broadcast %parallel_loop3A_154 : f32 to vector<16xf32>
        %parallel_loop3A_156 = arith.mulf %parallel_loop3A_153, %parallel_loop3A_155 : vector<16xf32>
        %parallel_loop3A_157 = arith.constant 1 : i32
        %parallel_loop3A_158 = arith.index_cast %parallel_loop3A_157 : i32 to index
        %parallel_loop3A_159 = arith.index_cast %parallel_loop3A_105 : i32 to index
        %parallel_loop3A_160 = arith.constant 48 : index
        %parallel_loop3A_161 = tpu.vector_load %arg10[%parallel_loop3A_158, %parallel_loop3A_159, %parallel_loop3A_160] {strides = array<i32>} : memref<4x50x64xf32, #tpu.memory_space<vmem>>, vector<1x1x16xf32>,
        %parallel_loop3A_162 = vector.shape_cast %parallel_loop3A_161 : vector<1x1x16xf32> to vector<16xf32>
        %parallel_loop3A_163 = vector.shape_cast %parallel_loop3A_156 : vector<16xf32> to vector<1x1x16xf32>
        tpu.vector_store %arg10[%parallel_loop3A_158, %parallel_loop3A_159, %parallel_loop3A_160], %parallel_loop3A_163 {strides = array<i32>} : memref<4x50x64xf32, #tpu.memory_space<vmem>>, vector<1x1x16xf32>,
      } {sc.loop_unroll_factor = 4 : i64, sc.parallel_access}
      %parallel_loop3A_83 = arith.constant 0 : i32
      %parallel_loop3A_84 = arith.constant 50 : i32
      %parallel_loop3A_85 = arith.constant 1 : i32
      scf.for %parallel_loop3A_105 = %parallel_loop3A_83 to %parallel_loop3A_84 step %parallel_loop3A_85  : i32 {
        %parallel_loop3A_106 = arith.constant 100 : i32
        %parallel_loop3A_107 = arith.addi %parallel_loop3A_106, %parallel_loop3A_105 : i32
        %parallel_loop3A_108 = arith.index_cast %parallel_loop3A_107 : i32 to index
        %parallel_loop3A_109 = arith.constant 0 : index
        %parallel_loop3A_110 = tpu.vector_load %arg8[%parallel_loop3A_108, %parallel_loop3A_109] {strides = array<i32>} : memref<200x128xf32, #tpu.memory_space<vmem>>, vector<1x16xf32>,
        %parallel_loop3A_111 = vector.shape_cast %parallel_loop3A_110 : vector<1x16xf32> to vector<16xf32>
        %parallel_loop3A_112 = arith.constant 8.000000e+00 : f32
        %parallel_loop3A_113 = vector.broadcast %parallel_loop3A_112 : f32 to vector<16xf32>
        %parallel_loop3A_114 = arith.mulf %parallel_loop3A_111, %parallel_loop3A_113 : vector<16xf32>
        %parallel_loop3A_115 = arith.constant 2 : i32
        %parallel_loop3A_116 = arith.index_cast %parallel_loop3A_115 : i32 to index
        %parallel_loop3A_117 = arith.index_cast %parallel_loop3A_105 : i32 to index
        %parallel_loop3A_118 = arith.constant 0 : index
        %parallel_loop3A_119 = tpu.vector_load %arg10[%parallel_loop3A_116, %parallel_loop3A_117, %parallel_loop3A_118] {strides = array<i32>} : memref<4x50x64xf32, #tpu.memory_space<vmem>>, vector<1x1x16xf32>,
        %parallel_loop3A_120 = vector.shape_cast %parallel_loop3A_119 : vector<1x1x16xf32> to vector<16xf32>
        %parallel_loop3A_121 = vector.shape_cast %parallel_loop3A_114 : vector<16xf32> to vector<1x1x16xf32>
        tpu.vector_store %arg10[%parallel_loop3A_116, %parallel_loop3A_117, %parallel_loop3A_118], %parallel_loop3A_121 {strides = array<i32>} : memref<4x50x64xf32, #tpu.memory_space<vmem>>, vector<1x1x16xf32>,
        %parallel_loop3A_122 = arith.index_cast %parallel_loop3A_107 : i32 to index
        %parallel_loop3A_123 = arith.constant 16 : index
        %parallel_loop3A_124 = tpu.vector_load %arg8[%parallel_loop3A_122, %parallel_loop3A_123] {strides = array<i32>} : memref<200x128xf32, #tpu.memory_space<vmem>>, vector<1x16xf32>,
        %parallel_loop3A_125 = vector.shape_cast %parallel_loop3A_124 : vector<1x16xf32> to vector<16xf32>
        %parallel_loop3A_126 = arith.constant 8.000000e+00 : f32
        %parallel_loop3A_127 = vector.broadcast %parallel_loop3A_126 : f32 to vector<16xf32>
        %parallel_loop3A_128 = arith.mulf %parallel_loop3A_125, %parallel_loop3A_127 : vector<16xf32>
        %parallel_loop3A_129 = arith.constant 2 : i32
        %parallel_loop3A_130 = arith.index_cast %parallel_loop3A_129 : i32 to index
        %parallel_loop3A_131 = arith.index_cast %parallel_loop3A_105 : i32 to index
        %parallel_loop3A_132 = arith.constant 16 : index
        %parallel_loop3A_133 = tpu.vector_load %arg10[%parallel_loop3A_130, %parallel_loop3A_131, %parallel_loop3A_132] {strides = array<i32>} : memref<4x50x64xf32, #tpu.memory_space<vmem>>, vector<1x1x16xf32>,
        %parallel_loop3A_134 = vector.shape_cast %parallel_loop3A_133 : vector<1x1x16xf32> to vector<16xf32>
        %parallel_loop3A_135 = vector.shape_cast %parallel_loop3A_128 : vector<16xf32> to vector<1x1x16xf32>
        tpu.vector_store %arg10[%parallel_loop3A_130, %parallel_loop3A_131, %parallel_loop3A_132], %parallel_loop3A_135 {strides = array<i32>} : memref<4x50x64xf32, #tpu.memory_space<vmem>>, vector<1x1x16xf32>,
        %parallel_loop3A_136 = arith.index_cast %parallel_loop3A_107 : i32 to index
        %parallel_loop3A_137 = arith.constant 32 : index
        %parallel_loop3A_138 = tpu.vector_load %arg8[%parallel_loop3A_136, %parallel_loop3A_137] {strides = array<i32>} : memref<200x128xf32, #tpu.memory_space<vmem>>, vector<1x16xf32>,
        %parallel_loop3A_139 = vector.shape_cast %parallel_loop3A_138 : vector<1x16xf32> to vector<16xf32>
        %parallel_loop3A_140 = arith.constant 8.000000e+00 : f32
        %parallel_loop3A_141 = vector.broadcast %parallel_loop3A_140 : f32 to vector<16xf32>
        %parallel_loop3A_142 = arith.mulf %parallel_loop3A_139, %parallel_loop3A_141 : vector<16xf32>
        %parallel_loop3A_143 = arith.constant 2 : i32
        %parallel_loop3A_144 = arith.index_cast %parallel_loop3A_143 : i32 to index
        %parallel_loop3A_145 = arith.index_cast %parallel_loop3A_105 : i32 to index
        %parallel_loop3A_146 = arith.constant 32 : index
        %parallel_loop3A_147 = tpu.vector_load %arg10[%parallel_loop3A_144, %parallel_loop3A_145, %parallel_loop3A_146] {strides = array<i32>} : memref<4x50x64xf32, #tpu.memory_space<vmem>>, vector<1x1x16xf32>,
        %parallel_loop3A_148 = vector.shape_cast %parallel_loop3A_147 : vector<1x1x16xf32> to vector<16xf32>
        %parallel_loop3A_149 = vector.shape_cast %parallel_loop3A_142 : vector<16xf32> to vector<1x1x16xf32>
        tpu.vector_store %arg10[%parallel_loop3A_144, %parallel_loop3A_145, %parallel_loop3A_146], %parallel_loop3A_149 {strides = array<i32>} : memref<4x50x64xf32, #tpu.memory_space<vmem>>, vector<1x1x16xf32>,
        %parallel_loop3A_150 = arith.index_cast %parallel_loop3A_107 : i32 to index
        %parallel_loop3A_151 = arith.constant 48 : index
        %parallel_loop3A_152 = tpu.vector_load %arg8[%parallel_loop3A_150, %parallel_loop3A_151] {strides = array<i32>} : memref<200x128xf32, #tpu.memory_space<vmem>>, vector<1x16xf32>,
        %parallel_loop3A_153 = vector.shape_cast %parallel_loop3A_152 : vector<1x16xf32> to vector<16xf32>
        %parallel_loop3A_154 = arith.constant 8.000000e+00 : f32
        %parallel_loop3A_155 = vector.broadcast %parallel_loop3A_154 : f32 to vector<16xf32>
        %parallel_loop3A_156 = arith.mulf %parallel_loop3A_153, %parallel_loop3A_155 : vector<16xf32>
        %parallel_loop3A_157 = arith.constant 2 : i32
        %parallel_loop3A_158 = arith.index_cast %parallel_loop3A_157 : i32 to index
        %parallel_loop3A_159 = arith.index_cast %parallel_loop3A_105 : i32 to index
        %parallel_loop3A_160 = arith.constant 48 : index
        %parallel_loop3A_161 = tpu.vector_load %arg10[%parallel_loop3A_158, %parallel_loop3A_159, %parallel_loop3A_160] {strides = array<i32>} : memref<4x50x64xf32, #tpu.memory_space<vmem>>, vector<1x1x16xf32>,
        %parallel_loop3A_162 = vector.shape_cast %parallel_loop3A_161 : vector<1x1x16xf32> to vector<16xf32>
        %parallel_loop3A_163 = vector.shape_cast %parallel_loop3A_156 : vector<16xf32> to vector<1x1x16xf32>
        tpu.vector_store %arg10[%parallel_loop3A_158, %parallel_loop3A_159, %parallel_loop3A_160], %parallel_loop3A_163 {strides = array<i32>} : memref<4x50x64xf32, #tpu.memory_space<vmem>>, vector<1x1x16xf32>,
      } {sc.loop_unroll_factor = 4 : i64, sc.parallel_access}
      %parallel_loop3A_86 = arith.constant 0 : i32
      %parallel_loop3A_87 = arith.constant 50 : i32
      %parallel_loop3A_88 = arith.constant 1 : i32
      scf.for %parallel_loop3A_105 = %parallel_loop3A_86 to %parallel_loop3A_87 step %parallel_loop3A_88  : i32 {
        %parallel_loop3A_106 = arith.constant 150 : i32
        %parallel_loop3A_107 = arith.addi %parallel_loop3A_106, %parallel_loop3A_105 : i32
        %parallel_loop3A_108 = arith.index_cast %parallel_loop3A_107 : i32 to index
        %parallel_loop3A_109 = arith.constant 0 : index
        %parallel_loop3A_110 = tpu.vector_load %arg8[%parallel_loop3A_108, %parallel_loop3A_109] {strides = array<i32>} : memref<200x128xf32, #tpu.memory_space<vmem>>, vector<1x16xf32>,
        %parallel_loop3A_111 = vector.shape_cast %parallel_loop3A_110 : vector<1x16xf32> to vector<16xf32>
        %parallel_loop3A_112 = arith.constant 8.000000e+00 : f32
        %parallel_loop3A_113 = vector.broadcast %parallel_loop3A_112 : f32 to vector<16xf32>
        %parallel_loop3A_114 = arith.mulf %parallel_loop3A_111, %parallel_loop3A_113 : vector<16xf32>
        %parallel_loop3A_115 = arith.constant 3 : i32
        %parallel_loop3A_116 = arith.index_cast %parallel_loop3A_115 : i32 to index
        %parallel_loop3A_117 = arith.index_cast %parallel_loop3A_105 : i32 to index
        %parallel_loop3A_118 = arith.constant 0 : index
        %parallel_loop3A_119 = tpu.vector_load %arg10[%parallel_loop3A_116, %parallel_loop3A_117, %parallel_loop3A_118] {strides = array<i32>} : memref<4x50x64xf32, #tpu.memory_space<vmem>>, vector<1x1x16xf32>,
        %parallel_loop3A_120 = vector.shape_cast %parallel_loop3A_119 : vector<1x1x16xf32> to vector<16xf32>
        %parallel_loop3A_121 = vector.shape_cast %parallel_loop3A_114 : vector<16xf32> to vector<1x1x16xf32>
        tpu.vector_store %arg10[%parallel_loop3A_116, %parallel_loop3A_117, %parallel_loop3A_118], %parallel_loop3A_121 {strides = array<i32>} : memref<4x50x64xf32, #tpu.memory_space<vmem>>, vector<1x1x16xf32>,
        %parallel_loop3A_122 = arith.index_cast %parallel_loop3A_107 : i32 to index
        %parallel_loop3A_123 = arith.constant 16 : index
        %parallel_loop3A_124 = tpu.vector_load %arg8[%parallel_loop3A_122, %parallel_loop3A_123] {strides = array<i32>} : memref<200x128xf32, #tpu.memory_space<vmem>>, vector<1x16xf32>,
        %parallel_loop3A_125 = vector.shape_cast %parallel_loop3A_124 : vector<1x16xf32> to vector<16xf32>
        %parallel_loop3A_126 = arith.constant 8.000000e+00 : f32
        %parallel_loop3A_127 = vector.broadcast %parallel_loop3A_126 : f32 to vector<16xf32>
        %parallel_loop3A_128 = arith.mulf %parallel_loop3A_125, %parallel_loop3A_127 : vector<16xf32>
        %parallel_loop3A_129 = arith.constant 3 : i32
        %parallel_loop3A_130 = arith.index_cast %parallel_loop3A_129 : i32 to index
        %parallel_loop3A_131 = arith.index_cast %parallel_loop3A_105 : i32 to index
        %parallel_loop3A_132 = arith.constant 16 : index
        %parallel_loop3A_133 = tpu.vector_load %arg10[%parallel_loop3A_130, %parallel_loop3A_131, %parallel_loop3A_132] {strides = array<i32>} : memref<4x50x64xf32, #tpu.memory_space<vmem>>, vector<1x1x16xf32>,
        %parallel_loop3A_134 = vector.shape_cast %parallel_loop3A_133 : vector<1x1x16xf32> to vector<16xf32>
        %parallel_loop3A_135 = vector.shape_cast %parallel_loop3A_128 : vector<16xf32> to vector<1x1x16xf32>
        tpu.vector_store %arg10[%parallel_loop3A_130, %parallel_loop3A_131, %parallel_loop3A_132], %parallel_loop3A_135 {strides = array<i32>} : memref<4x50x64xf32, #tpu.memory_space<vmem>>, vector<1x1x16xf32>,
        %parallel_loop3A_136 = arith.index_cast %parallel_loop3A_107 : i32 to index
        %parallel_loop3A_137 = arith.constant 32 : index
        %parallel_loop3A_138 = tpu.vector_load %arg8[%parallel_loop3A_136, %parallel_loop3A_137] {strides = array<i32>} : memref<200x128xf32, #tpu.memory_space<vmem>>, vector<1x16xf32>,
        %parallel_loop3A_139 = vector.shape_cast %parallel_loop3A_138 : vector<1x16xf32> to vector<16xf32>
        %parallel_loop3A_140 = arith.constant 8.000000e+00 : f32
        %parallel_loop3A_141 = vector.broadcast %parallel_loop3A_140 : f32 to vector<16xf32>
        %parallel_loop3A_142 = arith.mulf %parallel_loop3A_139, %parallel_loop3A_141 : vector<16xf32>
        %parallel_loop3A_143 = arith.constant 3 : i32
        %parallel_loop3A_144 = arith.index_cast %parallel_loop3A_143 : i32 to index
        %parallel_loop3A_145 = arith.index_cast %parallel_loop3A_105 : i32 to index
        %parallel_loop3A_146 = arith.constant 32 : index
        %parallel_loop3A_147 = tpu.vector_load %arg10[%parallel_loop3A_144, %parallel_loop3A_145, %parallel_loop3A_146] {strides = array<i32>} : memref<4x50x64xf32, #tpu.memory_space<vmem>>, vector<1x1x16xf32>,
        %parallel_loop3A_148 = vector.shape_cast %parallel_loop3A_147 : vector<1x1x16xf32> to vector<16xf32>
        %parallel_loop3A_149 = vector.shape_cast %parallel_loop3A_142 : vector<16xf32> to vector<1x1x16xf32>
        tpu.vector_store %arg10[%parallel_loop3A_144, %parallel_loop3A_145, %parallel_loop3A_146], %parallel_loop3A_149 {strides = array<i32>} : memref<4x50x64xf32, #tpu.memory_space<vmem>>, vector<1x1x16xf32>,
        %parallel_loop3A_150 = arith.index_cast %parallel_loop3A_107 : i32 to index
        %parallel_loop3A_151 = arith.constant 48 : index
        %parallel_loop3A_152 = tpu.vector_load %arg8[%parallel_loop3A_150, %parallel_loop3A_151] {strides = array<i32>} : memref<200x128xf32, #tpu.memory_space<vmem>>, vector<1x16xf32>,
        %parallel_loop3A_153 = vector.shape_cast %parallel_loop3A_152 : vector<1x16xf32> to vector<16xf32>
        %parallel_loop3A_154 = arith.constant 8.000000e+00 : f32
        %parallel_loop3A_155 = vector.broadcast %parallel_loop3A_154 : f32 to vector<16xf32>
        %parallel_loop3A_156 = arith.mulf %parallel_loop3A_153, %parallel_loop3A_155 : vector<16xf32>
        %parallel_loop3A_157 = arith.constant 3 : i32
        %parallel_loop3A_158 = arith.index_cast %parallel_loop3A_157 : i32 to index
        %parallel_loop3A_159 = arith.index_cast %parallel_loop3A_105 : i32 to index
        %parallel_loop3A_160 = arith.constant 48 : index
        %parallel_loop3A_161 = tpu.vector_load %arg10[%parallel_loop3A_158, %parallel_loop3A_159, %parallel_loop3A_160] {strides = array<i32>} : memref<4x50x64xf32, #tpu.memory_space<vmem>>, vector<1x1x16xf32>,
        %parallel_loop3A_162 = vector.shape_cast %parallel_loop3A_161 : vector<1x1x16xf32> to vector<16xf32>
        %parallel_loop3A_163 = vector.shape_cast %parallel_loop3A_156 : vector<16xf32> to vector<1x1x16xf32>
        tpu.vector_store %arg10[%parallel_loop3A_158, %parallel_loop3A_159, %parallel_loop3A_160], %parallel_loop3A_163 {strides = array<i32>} : memref<4x50x64xf32, #tpu.memory_space<vmem>>, vector<1x1x16xf32>,
      } {sc.loop_unroll_factor = 4 : i64, sc.parallel_access}
      %mul3A_89 = arith.constant 4 : i32
      %mul3A_90 = arith.muli %add3A_68, %mul3A_89 : i32
      %add3A_91 = arith.addi %mul3A_2, %mul3A_90 : i32
      %dma_start3A_92 = arith.constant 0 : i32
      %dma_start3A_93 = arith.constant 0 : i32
      %dma_start3A_94 = tpu.memref_slice %arg4[%add3A_91, %dma_start3A_92, %dma_start3A_93] : memref<16384x50x64xf32, #tpu.memory_space<hbm>> -> memref<4x50x64xf32, #tpu.memory_space<hbm>>
      %dma_start3A_95 = arith.constant 0 : i32
      %dma_start3A_96 = arith.constant 0 : i32
      %dma_start3A_97 = tpu.memref_slice %arg4[%add3A_91, %dma_start3A_95, %dma_start3A_96] : memref<16384x50x64xf32, #tpu.memory_space<hbm>> -> memref<4x50x64xf32, #tpu.memory_space<hbm>>
      tpu.enqueue_dma source(%arg10 : memref<4x50x64xf32, #tpu.memory_space<vmem>>) target(%dma_start3A_97 : memref<4x50x64xf32, #tpu.memory_space<hbm>>) target_semaphore(%arg14 : memref<!tpu.dma_semaphore, #tpu.memory_space<semaphore_mem>>)
      %add3A_98 = arith.constant 2 : i32
      %add3A_99 = arith.addi %add3A_68, %add3A_98 : i32
      %lt3A_100 = arith.constant 128 : i32
      %lt3A_101 = arith.cmpi slt, %add3A_99, %lt3A_100 : i32
      %convert_element_type3A_102 = arith.extui %lt3A_101 : i1 to i32
      %cond3A_103 = arith.constant 0 : i32
      %cond3A_104 = arith.cmpi ne, %convert_element_type3A_102, %cond3A_103 : i32
      scf.if %cond3A_104 {
        %add3A_105 = arith.constant 2 : i32
        %add3A_106 = arith.addi %add3A_68, %add3A_105 : i32
        %mul3A_107 = arith.constant 200 : i32
        %mul3A_108 = arith.muli %add3A_106, %mul3A_107 : i32
        %add3A_109 = arith.addi %mul3A_4, %mul3A_108 : i32
        "tpu.region"() ({
          %run_scoped3A = tpu.sem_alloc : memref<!tpu.dma_semaphore, #tpu.memory_space<semaphore_mem>>
          %dma_start3A_113 = tpu.memref_slice %arg3[%add3A_109] : memref<819200xi32, #tpu.memory_space<hbm>> -> memref<200xi32, #tpu.memory_space<hbm>>
          %dma_start3A_114 = tpu.memref_slice %arg3[%add3A_109] : memref<819200xi32, #tpu.memory_space<hbm>> -> memref<200xi32, #tpu.memory_space<hbm>>
          tpu.enqueue_dma source(%dma_start3A_114 : memref<200xi32, #tpu.memory_space<hbm>>) target(%arg6 : memref<200xi32, #tpu.memory_space<vmem>>) target_semaphore(%run_scoped3A : memref<!tpu.dma_semaphore, #tpu.memory_space<semaphore_mem>>)
          %dma_wait3A_115 = tpu.memref_slice %arg3[%add3A_109] : memref<819200xi32, #tpu.memory_space<hbm>> -> memref<200xi32, #tpu.memory_space<hbm>>
          %dma_wait3A_116 = tpu.memref_slice %arg3[%add3A_109] : memref<819200xi32, #tpu.memory_space<hbm>> -> memref<200xi32, #tpu.memory_space<hbm>>
          tpu.wait_dma2 semaphore(%run_scoped3A : memref<!tpu.dma_semaphore, #tpu.memory_space<semaphore_mem>>) src(%dma_wait3A_116 : memref<200xi32, #tpu.memory_space<hbm>>) dst(%arg6 : memref<200xi32, #tpu.memory_space<vmem>>)
          tpu.yield
        }) : () -> ()
        %dma_start3A_110 = arith.constant 0 : i32
        %dma_start3A_111 = arith.constant 0 : i32
        %dma_start3A_112 = tpu.memref_slice %arg2[%dma_start3A_110, %dma_start3A_111] : memref<1000000x128xf32, #tpu.memory_space<hbm>> -> memref<1000000x128xf32, #tpu.memory_space<hbm>>
        tpu.enqueue_indirect_dma source(%dma_start3A_112 : memref<1000000x128xf32, #tpu.memory_space<hbm>>) target(%arg8 : memref<200x128xf32, #tpu.memory_space<vmem>>) offsets(%arg6 : memref<200xi32, #tpu.memory_space<vmem>>) semaphore(%arg12 : memref<!tpu.dma_semaphore, #tpu.memory_space<semaphore_mem>>)
      } else {
      }
    }
    %scan3A_17 = arith.constant 64 : i32
    %dma_wait3A = arith.constant 0 : i32
    %dma_wait3A_18 = arith.constant 0 : i32
    %dma_wait3A_19 = tpu.memref_slice %arg4[%mul3A_2, %dma_wait3A, %dma_wait3A_18] : memref<16384x50x64xf32, #tpu.memory_space<hbm>> -> memref<4x50x64xf32, #tpu.memory_space<hbm>>
    %dma_wait3A_20 = arith.constant 0 : i32
    %dma_wait3A_21 = arith.constant 0 : i32
    %dma_wait3A_22 = tpu.memref_slice %arg4[%mul3A_2, %dma_wait3A_20, %dma_wait3A_21] : memref<16384x50x64xf32, #tpu.memory_space<hbm>> -> memref<4x50x64xf32, #tpu.memory_space<hbm>>
    tpu.wait_dma2 semaphore(%arg13 : memref<!tpu.dma_semaphore, #tpu.memory_space<semaphore_mem>>) src(%arg9 : memref<4x50x64xf32, #tpu.memory_space<vmem>>) dst(%dma_wait3A_22 : memref<4x50x64xf32, #tpu.memory_space<hbm>>)
    %dma_wait3A_23 = arith.constant 0 : i32
    %dma_wait3A_24 = arith.constant 0 : i32
    %dma_wait3A_25 = tpu.memref_slice %arg4[%mul3A_2, %dma_wait3A_23, %dma_wait3A_24] : memref<16384x50x64xf32, #tpu.memory_space<hbm>> -> memref<4x50x64xf32, #tpu.memory_space<hbm>>
    %dma_wait3A_26 = arith.constant 0 : i32
    %dma_wait3A_27 = arith.constant 0 : i32
    %dma_wait3A_28 = tpu.memref_slice %arg4[%mul3A_2, %dma_wait3A_26, %dma_wait3A_27] : memref<16384x50x64xf32, #tpu.memory_space<hbm>> -> memref<4x50x64xf32, #tpu.memory_space<hbm>>
    tpu.wait_dma2 semaphore(%arg14 : memref<!tpu.dma_semaphore, #tpu.memory_space<semaphore_mem>>) src(%arg10 : memref<4x50x64xf32, #tpu.memory_space<vmem>>) dst(%dma_wait3A_28 : memref<4x50x64xf32, #tpu.memory_space<hbm>>)
    return
  }
}

</mosaic_0001>

<sc_bundles>
// kernel: kernel.3.cloned.1.call-start
scs
__scs_entry_jumppad:
0x0: {  	(pc) =	sbr.rel $0x88, $3  }
0x1: {  	(tag) =	ssettag $0x0;
	lr =	simm.s32 $0x1  }
0x2: {  	[smem:$0x3F9F] =	sst lr;
	_ =	strace $0xD0000000  }
0x3: {  	_ = 	snop  }
0x4: {  	_ = 	snop  }
0x5: {  	_ = 	snop  }
0x6: {  	_ = 	snop  }
0x7: {  	_ = 	snop  }
__scs_overlays_trampoline_lowered:
0x8: {  	[smem:$0x3FAE] =	sst s0  }
0x9: {  	[smem:$0x3FAF] =	sst s1  }
0xa: {  	[smem:$0x3FB0] =	sst s2  }
0xb: {  	[smem:$0x3FB1] =	sst s3  }
0xc: {  	[smem:$0x3FB2] =	sst s4  }
0xd: {  	[smem:$0x3FB3] =	sst s5  }
0xe: {  	[smem:$0x3FB4] =	sst s6  }
0xf: {  	[smem:$0x3FB5] =	sst s7  }
0x10: {  	[smem:$0x3FB6] =	sst s8  }
0x11: {  	[smem:$0x3FB7] =	sst s9;
	s0 =	simm.s32 @!p0 $0x0  }
0x12: {  	s1 =	sld [smem:$0x3F9D];
	s0 =	simm.s32 @p0 $0x1  }
0x13: {  	[smem:$0x3FB8] =	sst s0;
	s0 =	simm.s32 @!p1 $0x0  }
0x14: {  	s2 =	sld [smem:$0x3F9C];
	s0 =	simm.s32 @p1 $0x1  }
0x15: {  	[smem:$0x3FB9] =	sst s0;
	s0 =	simm.s32 @!p2 $0x0  }
0x16: {  	s3 =	sld [smem:$0x3FDB];
	s0 =	simm.s32 @p2 $0x1  }
0x17: {  	s4 =	simm.s32 $0x1BF5;
	[smem:$0x3FBB] =	sst s0  }
0x18: {  	s0 =	sld [smem:$0x3F9E];
	_ =	swait.ge [sflag:s4], $0x0  }
0x19: {  	s7 =	sld [smem:$0x3F9F]  }
0x1a: {  	s8 =	sadd.s32 $0xFFFFE003, lr  }
0x1b: {  	s9 =	sadd.s32 $0xFFFFFEF7, lr;
	s5 =	simm.s32 $0xFFFFFFFF;
	p2 =	slt.u32 s8, $0xFFFFF086  }
0x1c: {  	p1 =	slt.u32 s9, $0xF7A;
	s5 =	simm.s32 @!p2 $0x0  }
0x1d: {  	s5 =	simm.s32 @p1 $0x1;
	p0 =	seq.s32 s7, s2  }
0x1e: {  	s7 =	smul.u32 @!p0 $0xF7A, s2;
	p2 =	seq.s32 @!p0 s5, $0x0  }
0x1f: {  	s9 =	smul.u32 $0xF7A, s1;
	s8 =	simm.s32 @!p0 $0x1BF5;
	p2 =	por !p2, p0  }
0x20: {  	[sflag:s8] =	ssyncset.s32 @!p0 $0xFFFFF086;
	s6 =	sadd.s32 @!p0 s3, s7;
	s7 =	simm.s32 @!p0 $0x108  }
0x21: {  	s3 =	sadd.s32 s3, s9;
	s6 =	sadd.s32 @!p0 $0x88, s6;
	s7 =	simm.s32 @p2 $0x1082  }
0x22: {  	[simem:s7], [sflag:s8] =	dma.local @!p0 [hbm:s6], $0xF7A  }
0x23: {  	s9 =	sor.u32 $0xD0000000, s2;
	s6 =	simm.s32 $0x108;
	_ =	swait.ge @!p0 [sflag:s8], $0x0  }
0x24: {  	s3 =	sadd.s32 $0x88, s3;
	s6 =	simm.s32 @!p1 $0x1082;
	[sflag:s4] =	ssyncset.s32 $0xFFFFF086  }
0x25: {  	[simem:s6], [sflag:s4] =	dma.local [hbm:s3], $0xF7A  }
0x26: {  	[smem:$0x3F9F] =	sst s1;
	(tag) =	ssettag s2;
	_ =	strace s9  }
0x27: {  	s1 =	sld [smem:$0x3FAF]  }
0x28: {  	s2 =	sld [smem:$0x3FB0]  }
0x29: {  	s4 =	sld [smem:$0x3FB2]  }
0x2a: {  	p0 =	seq.s32 s5, $0x0;
	s5 =	sld [smem:$0x3FB3]  }
0x2b: {  	s6 =	sld [smem:$0x3FB4]  }
0x2c: {  	s7 =	sld [smem:$0x3FB5]  }
0x2d: {  	s3 =	simm.s32 $0x108;
	s8 =	sld [smem:$0x3FB6]  }
0x2e: {  	s3 =	simm.s32 @!p0 $0x1082;
	s9 =	sld [smem:$0x3FB7]  }
0x2f: {  	lr =	sadd.s32 s0, s3;
	s0 =	sld [smem:$0x3FAE]  }
0x30: {  	s3 =	sld [smem:$0x3FB1]  }
0x31: {  	[smem:$0x3FBA] =	sst s10  }
0x32: {  	s10 =	sld [smem:$0x3FB8];
	_ =	sdelay $0x3  }
0x33: {  	p0 =	seq.s32 s10, $0x1;
	s10 =	sld [smem:$0x3FBA];
	_ =	sdelay $0x3  }
0x34: {  	[smem:$0x3FBA] =	sst s10  }
0x35: {  	s10 =	sld [smem:$0x3FB9];
	_ =	sdelay $0x3  }
0x36: {  	p1 =	seq.s32 s10, $0x1;
	s10 =	sld [smem:$0x3FBA];
	_ =	sdelay $0x3  }
0x37: {  	[smem:$0x3FBA] =	sst s10  }
0x38: {  	s10 =	sld [smem:$0x3FBB]  }
0x39: {  	_ = 	snop;
	(pc) =	sbr.ind lr, $3  }
0x3a: {  	_ = 	snop  }
0x3b: {  	_ = 	snop  }
0x3c: {  	p2 =	seq.s32 s10, $0x1;
	s10 =	sld [smem:$0x3FBA]  }
0x3d: {  	_ =	shalt  }
0x3e: {  	_ =	shalt  }
0x3f: {  	_ =	shalt  }
0x40: {  	_ =	shalt  }
0x41: {  	_ =	shalt  }
0x42: {  	_ =	shalt  }
0x43: {  	_ =	shalt  }
0x44: {  	_ =	shalt  }
0x45: {  	_ =	shalt  }
0x46: {  	_ =	shalt  }
0x47: {  	_ =	shalt  }
0x48: {  	_ =	shalt  }
0x49: {  	_ =	shalt  }
0x4a: {  	_ =	shalt  }
0x4b: {  	_ =	shalt  }
0x4c: {  	_ =	shalt  }
0x4d: {  	_ =	shalt  }
0x4e: {  	_ =	shalt  }
0x4f: {  	_ =	shalt  }
0x50: {  	_ =	shalt  }
0x51: {  	_ =	shalt  }
0x52: {  	_ =	shalt  }
0x53: {  	_ =	shalt  }
0x54: {  	_ =	shalt  }
0x55: {  	_ =	shalt  }
0x56: {  	_ =	shalt  }
0x57: {  	_ =	shalt  }
0x58: {  	_ =	shalt  }
0x59: {  	_ =	shalt  }
0x5a: {  	_ =	shalt  }
0x5b: {  	_ =	shalt  }
0x5c: {  	_ =	shalt  }
0x5d: {  	_ =	shalt  }
0x5e: {  	_ =	shalt  }
0x5f: {  	_ =	shalt  }
0x60: {  	_ =	shalt  }
0x61: {  	_ =	shalt  }
0x62: {  	_ =	shalt  }
0x63: {  	_ =	shalt  }
0x64: {  	_ =	shalt  }
0x65: {  	_ =	shalt  }
0x66: {  	_ =	shalt  }
0x67: {  	_ =	shalt  }
0x68: {  	_ =	shalt  }
0x69: {  	_ =	shalt  }
0x6a: {  	_ =	shalt  }
0x6b: {  	_ =	shalt  }
0x6c: {  	_ =	shalt  }
0x6d: {  	_ =	shalt  }
0x6e: {  	_ =	shalt  }
0x6f: {  	_ =	shalt  }
0x70: {  	_ =	shalt  }
0x71: {  	_ =	shalt  }
0x72: {  	_ =	shalt  }
0x73: {  	_ =	shalt  }
0x74: {  	_ =	shalt  }
0x75: {  	_ =	shalt  }
0x76: {  	_ =	shalt  }
0x77: {  	_ =	shalt  }
0x78: {  	_ =	shalt  }
0x79: {  	_ =	shalt  }
0x7a: {  	_ =	shalt  }
0x7b: {  	_ =	shalt  }
0x7c: {  	_ =	shalt  }
0x7d: {  	_ =	shalt  }
0x7e: {  	_ =	shalt  }
0x7f: {  	_ =	shalt  }
0x80: {  	_ =	shalt  }
0x81: {  	_ =	shalt  }
0x82: {  	_ =	shalt  }
0x83: {  	_ =	shalt  }
0x84: {  	_ =	shalt  }
0x85: {  	_ =	shalt  }
0x86: {  	_ =	shalt  }
0x87: {  	_ =	shalt  }
.Lfunc_end0:
.L_simem_size_0:
called_computation_lowered:
.L_overlay_start_0:
0x88: {  	s2 =	sld [smem:$0x3FD9]  }
0x89: {  	s3 =	sld [smem:$0x3FFE];
	_ =	sdelay $0x1  }
0x8a: {  	s1 =	srdreg.scid  }
0x8b: {  	s0 =	sand.u32 $0x1, s1  }
0x8c: {  	s17 =	sshll.u32 s0, $0xA;
	s2 =	sadd.s32 s3, s2  }
0x8d: {  	s2 =	sadd.s32 s2, s17  }
0x8e: {  	[smem:$0x3FC6] =	sst s2  }
0x8f: {  	_ = 	snop  }
0x90: {  	s2 =	sld [smem:$0x3FD0];
	(tm) =	ssettm $0x1  }
0x91: {  	s18 =	sld [smem:$0x3FFB];
	_ =	sdelay $0x3  }
0x92: {  	_ =	strace s18  }
0x93: {  	s3 =	sld [smem:$0x3FFC];
	_ =	sdelay $0x3  }
0x94: {  	_ =	strace s3  }
0x95: {  	s3 =	sld [smem:$0x3FFD];
	_ =	sdelay $0x3  }
0x96: {  	_ =	strace s3  }
0x97: {  	_ =	strace $0x8FFFFFFF  }
0x98: {  	s19 =	sld [smem:$0x3FDB];
	_ =	sdelay $0x1  }
0x99: {  	s4 =	simm.s32 $_scs_section_size  }
0x9a: {  	s5 =	simm.s32 $_size__tile_overlayer_lowered;
	s6 =	simm.s32 $_tile_overlayer_lowered  }
0x9b: {  	s22 =	simm.s32 $0x1BFF;
	s21 =	sshll.u32 s6, $0x1;
	s3 =	sadd.s32 s4, s19  }
0x9c: {  	s7 =	simm.s32 $0x0;
	s20 =	sshll.u32 s5, $0x1;
	s5 =	sadd.s32 s21, s3  }
0x9d: {  	[timem:s7], [sflag:s22] =	dma.local [hbm:s5], s20  }
0x9e: {  	_ =	swait.ge [sflag:s22], s20  }
0x9f: {  	s4 =	ssub.s32 $0x0, s20;
	[sflag:s22] =	ssyncset.done $0x0  }
0xa0: {  	[sflag:s22] =	ssyncadd.s32 s4;
	_ =	sdelay $0x1  }
0xa1: {  	s23 =	simm.s32 $0x1B8B  }
0xa2: {  	_ =	swait.ge [sflag:s23], $0x1  }
0xa3: {  	[sflag:s23] =	ssyncset.done $0x0  }
0xa4: {  	s25 =	simm.s32 $0x1B8E;
	s24 =	sld [smem:$0x3FFE];
	[sflag:s23] =	ssyncadd.s32 $0xFFFFFFFF  }
0xa5: {  	s26 =	simm.s32 $execute0_lowered;
	[smem:$0x3FD2] =	sst s25  }
0xa6: {  	s5 =	sshll.u32 s26, $0x1;
	_ =	strace $0x80000046;
	[dreg:$0x1] =	wrdreg $0xFFFFFFFF  }
0xa7: {  	s28 =	simm.s32 $_size_execute0_lowered;
	s3 =	sadd.s32 s3, s5;
	[dreg:$0x0] =	wrdreg $0x0  }
0xa8: {  	s5 =	sshll.u32 s28, $0x1;
	[dreg:$0x2] =	wrdreg s3  }
0xa9: {  	[dreg:$0x3] =	wrdreg s5  }
0xaa: {  	[dreg:$0x4] =	wrdreg $0xC0  }
0xab: {  	_ =	task [dreg:s7], $0x5FFFF  }
0xac: {  	[dreg:$0x1] =	wrdreg $0xFFFFFFFF  }
0xad: {  	[dreg:$0x0] =	wrdreg $0x60  }
0xae: {  	[dreg:$0x2] =	wrdreg s24  }
0xaf: {  	[dreg:$0x3] =	wrdreg s2  }
0xb0: {  	[dreg:$0x4] =	wrdreg $0x9  }
0xb1: {  	_ =	task.clear_ibuf [dreg:s7], $0x5FFFF;
	_ =	strace $0x90000046  }
0xb2: {  	s29 =	simm.s32 $0x9;
	_ =	strace $0x80000048  }
0xb3: {  	_ =	swait.ge [sflag:s29], $0x1  }
0xb4: {  	[sflag:s29] =	ssyncadd.s32 $0xFFFFFFFF  }
0xb5: {  	_ =	strace $0x90000048  }
0xb6: {  	_ =	sfence  }
0xb7: {  	s30 =	sld [smem:$0x0];
	_ =	sdelay $0x2  }
0xb8: {  	s31 =	sshll.u32 s1, $0xD;
	s1 =	sshrl.u32 s1, $0x2  }
0xb9: {  	s3 =	sand.u32 $0x4000, s31;
	s1 =	sadd.s32 s1, s30  }
0xba: {  	s0 =	sor.u32 s3, s0;
	s1 =	sshll.u32 s1, $0x11  }
0xbb: {  	s0 =	sor.u32 s1, s0  }
0xbc: {  	s0 =	sadd.s32 $0x8F2B, s0  }
0xbd: {  	[sflag:s0] =	ssyncadd.remote.s32 $0x1  }
0xbe: {  	_ =	sfence.sel $0xFFFF  }
0xbf: {  	[dreg:$0x0] =	wrdreg $0xFFFFFFFF;
	(pc) =	sbr.abs _section_cstart, $3  }
0xc0: {  	[dreg:$0x1] =	wrdreg $0xFFFFFFFF  }
0xc1: {  	_ =	task.clear_ibuf [dreg:s7], $0x2FFFF;
	_ =	strace $0x9FFFFFFF  }
0xc2: {  	(tm) =	ssettm $0x7FFFFFFF  }
0xc3: {  	_ =	shalt  }
tec
execute0_lowered:
.L_overlay_start_1:
0x0: {  	(tag) =	ssettag $0x1  }
0x1: {  	s0 =	rddreg [dreg:$0x0];
	s1 =	srdreg.scid  }
0x2: {  	s3 =	stileid.u32;
	s2 =	rddreg [dreg:$0x1];
	s12 =	simm.s32 $0x5  }
0x3: {  	s13 =	simm.s32 $0xC8;
	s14 =	simm.s32 $0x200;
	s15 =	simm.s32 $0x100  }
0x4: {  	s16 =	simm.s32 $0x6600;
	s17 =	simm.s32 $0x1;
	s18 =	simm.s32 $0xCA00  }
0x5: {  	s19 =	simm.s32 $0xE600;
	s20 =	simm.s32 $0x10200;
	s21 =	simm.s32 $0x11E00  }
0x6: {  	s22 =	simm.s32 $0x2;
	s23 =	simm.s32 $0x4;
	s24 =	simm.s32 $0x13A00  }
0x7: {  	s25 =	simm.s32 $0x15600;
	s26 =	simm.s32 $0x17200;
	s28 =	simm.s32 $0x18E00  }
0x8: {  	s1 =	sand.u32 $0x1, s1;
	s4 =	sshll.u32 s3, $0x1;
	s3 =	simm.s32 $0x0  }
0x9: {  	s5 =	sadd.s32 $0x600, s0;
	s6 =	sor.u32 s1, s4;
	s1 =	ssub.s32 $0x2, s1  }
0xa: {  	[smem:$0x7FF] =	sst s3;
	s8 =	smul.u32 $0x6400, s6;
	s30 =	sshrl.u32 s1, $0x1  }
.Ltmp0:
0xb: {  	s4 =	sadd.s32 $0xF42A00, s0;
	s0 =	ssub.s32 s1, s30;
	(pc) =	sbr.rel .LBB2_1-.Ltmp0, $4  }
0xc: {  	_ =	strace $0x80000047;
	s7 =	sshrl.u32 s8, $0x3;
	s0 =	smax.u32 s0, $0x1  }
0xd: {  	s1 =	simm.s32 $0x0;
	s9 =	sadd.s32 s2, s7;
	[dreg:$0x5] =	wrdreg s0  }
0xe: {  	s10 =	sor.u32 $0x258, s8;
	[dreg:$0x3] =	wrdreg s9;
	s31 =	sadd.s32 $0x19, s9  }
0xf: {  	s7 =	sshll.u32 s6, $0x9;
	s9 =	sor.u32 $0x190, s8;
	[dreg:$0x4] =	wrdreg s31  }
.LBB2_40:
0x10: {  	s0 =	simm.s32 $0x3  }
0x11: {  	_ =	swait.ge [sflag:s0], $0x6400  }
0x12: {  	[sflag:s0] =	ssyncset.done $0x0  }
0x13: {  	[sflag:s0] =	ssyncadd.s32 $0xFFFF9C00  }
0x14: {  	_ =	swait.ge [sflag:s23], $0x6400  }
0x15: {  	s1 =	rddreg [dreg:$0x6]  }
0x16: {  	s31 =	rddreg [dreg:$0x5];
	s1 =	sadd.s32 $0x1, s1  }
0x17: {  	p0 =	sne.s32 s1, s31  }
.Ltmp1:
0x18: {  	_ = 	snop;
	(pc) =	sbr.rel @!p0 .LBB2_41-.Ltmp1, $3  }
0x19: {  	_ =	sdelay $0x1  }
0x1a: {  	[sflag:s23] =	ssyncset.done $0x0  }
0x1b: {  	[sflag:s23] =	ssyncadd.s32 $0xFFFF9C00  }
.LBB2_1:
0x1c: {  	[dreg:$0x6] =	wrdreg s1  }
0x1d: {  	s0 =	rddreg [dreg:$0x3]  }
0x1e: {  	[tilespmem:s3], [sflag:$0x5] =	stream.linear.gather [hbm4b:s0+s3], $0xC8, $0x38;
	[tilespmem:$0x1AA00] =	vst v63  }
0x1f: {  	_ =	swait.ge [sflag:s12], $0xC8  }
0x20: {  	[sflag:s12] =	ssyncset.done $0x0  }
0x21: {  	[sflag:s12] =	ssyncadd.s32 $0xFFFFFF38  }
0x22: {  	[tilespmem:s14], [sflag:$0x1] =	stream.indirect.gather [hbm4b:s4+s13], $0x80, s3, s13, $0xb8;
	[tilespmem:$0x1AA00] =	vst v63  }
0x23: {  	s30 =	rddreg [dreg:$0x4]  }
0x24: {  	[tilespmem:s15], [sflag:$0x5] =	stream.linear.gather [hbm4b:s30+s3], $0xC8, $0x38;
	[tilespmem:$0x1AA00] =	vst v63  }
0x25: {  	_ =	swait.ge [sflag:s12], $0xC8  }
0x26: {  	[sflag:s12] =	ssyncset.done $0x0  }
0x27: {  	s31 =	simm.s32 $0x0;
	[sflag:s12] =	ssyncadd.s32 $0xFFFFFF38  }
0x28: {  	[tilespmem:s16], [sflag:$0x2] =	stream.indirect.gather [hbm4b:s4+s13], $0x80, s15, s13, $0xb8;
	[tilespmem:$0x1AA00] =	vst v63  }
.LBB2_2:
0x29: {  	_ =	swait.ge [sflag:s17], $0x6400  }
0x2a: {  	p0 =	seq.s32 s31, $0x0;
	[sflag:s17] =	ssyncset.done $0x0  }
0x2b: {  	s0 =	simm.s32 @!p0 $0x3;
	[sflag:s17] =	ssyncadd.s32 $0xFFFF9C00  }
0x2c: {  	_ =	swait.ge @!p0 [sflag:s0], $0x6400  }
0x2d: {  	[sflag:s0] =	ssyncset.done @!p0 $0x0  }
0x2e: {  	s29 =	simm.s32 $0x300;
	[sflag:s0] =	ssyncadd.s32 @!p0 $0xFFFF9C00  }
0x2f: {  	v0 =	vld [tilespmem:s29+$0x80];
	_ =	sdelay $0x3  }
0x30: {  	v1 =	vld [tilespmem:s29+$0xFFFFFF00]  }
0x31: {  	v2 =	vld [tilespmem:s29+$0xFFFFFF80];
	v0 =	vmul.f32 $8.000000000e+00, v0  }
0x32: {  	s1 =	simm.s32 $0xCB00;
	v3 =	vld [tilespmem:s29+$0x0]  }
0x33: {  	[tilespmem:s1+$0x80] =	vst v0  }
0x34: {  	v0 =	vld [tilespmem:s29+$0x90]  }
0x35: {  	v1 =	vmul.f32 $8.000000000e+00, v1  }
0x36: {  	v2 =	vmul.f32 $8.000000000e+00, v2  }
0x37: {  	v3 =	vmul.f32 $8.000000000e+00, v3;
	[tilespmem:s1+$0xFFFFFF00] =	vst v1  }
0x38: {  	[tilespmem:s1+$0xFFFFFF80] =	vst v2;
	v1 =	vld [tilespmem:s29+$0xFFFFFF10]  }
0x39: {  	[tilespmem:s1+$0x0] =	vst v3;
	v2 =	vld [tilespmem:s29+$0xFFFFFF90];
	v0 =	vmul.f32 $8.000000000e+00, v0  }
0x3a: {  	s0 =	simm.s32 $0x500;
	v3 =	vld [tilespmem:s29+$0x10]  }
0x3b: {  	[tilespmem:s1+$0x90] =	vst v0;
	v0 =	vld [tilespmem:s0+$0x80]  }
0x3c: {  	v4 =	vld [tilespmem:s29+$0xA0]  }
0x3d: {  	v5 =	vld [tilespmem:s0+$0xFFFFFF80];
	v1 =	vmul.f32 $8.000000000e+00, v1  }
0x3e: {  	v6 =	vld [tilespmem:s0+$0x0];
	v2 =	vmul.f32 $8.000000000e+00, v2  }
0x3f: {  	v3 =	vmul.f32 $8.000000000e+00, v3;
	[tilespmem:s1+$0xFFFFFF10] =	vst v1;
	v1 =	vld [tilespmem:s0+$0xFFFFFF00]  }
0x40: {  	[tilespmem:s1+$0xFFFFFF90] =	vst v2;
	v2 =	vld [tilespmem:s29+$0xFFFFFF20];
	v0 =	vmul.f32 $8.000000000e+00, v0  }
0x41: {  	s8 =	simm.s32 $0xCD00;
	[tilespmem:s1+$0x10] =	vst v3;
	v7 =	vld [tilespmem:s29+$0xFFFFFFA0];
	v3 =	vmul.f32 $8.000000000e+00, v4  }
0x42: {  	v4 =	vmul.f32 $8.000000000e+00, v5;
	[tilespmem:s8+$0x80] =	vst v0;
	v0 =	vld [tilespmem:s29+$0x20]  }
0x43: {  	v5 =	vmul.f32 $8.000000000e+00, v6;
	v6 =	vld [tilespmem:s0+$0x90];
	[tilespmem:s1+$0xA0] =	vst v3  }
0x44: {  	v1 =	vmul.f32 $8.000000000e+00, v1;
	[tilespmem:s8+$0xFFFFFF80] =	vst v4;
	v8 =	vld [tilespmem:s29+$0xB0]  }
0x45: {  	v2 =	vmul.f32 $8.000000000e+00, v2;
	[tilespmem:s8+$0x0] =	vst v5;
	v9 =	vld [tilespmem:s0+$0xFFFFFF90]  }
0x46: {  	[tilespmem:s8+$0xFFFFFF00] =	vst v1;
	v5 =	vmul.f32 $8.000000000e+00, v7;
	v3 =	vld [tilespmem:s0+$0x10]  }
0x47: {  	v4 =	vld [tilespmem:s0+$0xFFFFFF10];
	[tilespmem:s1+$0xFFFFFF20] =	vst v2;
	v2 =	vmul.f32 $8.000000000e+00, v0  }
0x48: {  	v1 =	vld [tilespmem:s29+$0xFFFFFF30];
	[tilespmem:s1+$0xFFFFFFA0] =	vst v5;
	v7 =	vmul.f32 $8.000000000e+00, v6  }
0x49: {  	v0 =	vld [tilespmem:s29+$0xFFFFFFB0];
	[tilespmem:s1+$0x20] =	vst v2;
	v5 =	vmul.f32 $8.000000000e+00, v8  }
0x4a: {  	s11 =	simm.s32 $0x4;
	s6 =	simm.s32 $0x700;
	v6 =	vmul.f32 $8.000000000e+00, v9;
	[tilespmem:s8+$0x90] =	vst v7;
	v2 =	vld [tilespmem:s29+$0x30]  }
.LBB2_3:
0x4b: {  	v7 =	vld [tilespmem:s6+$0x80];
	v3 =	vmul.f32 $8.000000000e+00, v3;
	[tilespmem:s1+$0xB0] =	vst v5  }
0x4c: {  	s11 =	sadd.s32 $0x4, s11;
	v4 =	vmul.f32 $8.000000000e+00, v4;
	[tilespmem:s8+$0xFFFFFF90] =	vst v6;
	v5 =	vld [tilespmem:s0+$0xA0]  }
0x4d: {  	p1 =	slt.u32 s11, $0x2C;
	v6 =	vld [tilespmem:s6+$0xFFFFFF80];
	[tilespmem:s8+$0x10] =	vst v3;
	v1 =	vmul.f32 $8.000000000e+00, v1  }
0x4e: {  	v3 =	vld [tilespmem:s6+$0x0];
	[tilespmem:s8+$0xFFFFFF10] =	vst v4;
	v0 =	vmul.f32 $8.000000000e+00, v0  }
0x4f: {  	v4 =	vld [tilespmem:s6+$0xFFFFFF00];
	[tilespmem:s1+$0xFFFFFF30] =	vst v1;
	v1 =	vmul.f32 $8.000000000e+00, v2  }
0x50: {  	v2 =	vmul.f32 $8.000000000e+00, v7;
	v7 =	vld [tilespmem:s0+$0xFFFFFF20];
	[tilespmem:s1+$0xFFFFFFB0] =	vst v0  }
0x51: {  	v0 =	vld [tilespmem:s0+$0xFFFFFFA0];
	v5 =	vmul.f32 $8.000000000e+00, v5;
	[tilespmem:s1+$0x30] =	vst v1;
	s1 =	smov.u32 s8;
	s8 =	sadd.s32 $0x200, s8  }
0x52: {  	v1 =	vmul.f32 $8.000000000e+00, v6;
	[tilespmem:s8+$0x80] =	vst v2;
	v2 =	vld [tilespmem:s0+$0x20]  }
0x53: {  	v3 =	vmul.f32 $8.000000000e+00, v3;
	v6 =	vld [tilespmem:s6+$0x90];
	[tilespmem:s1+$0xA0] =	vst v5  }
0x54: {  	v4 =	vmul.f32 $8.000000000e+00, v4;
	[tilespmem:s8+$0xFFFFFF80] =	vst v1;
	v5 =	vld [tilespmem:s0+$0xB0]  }
0x55: {  	v8 =	vld [tilespmem:s6+$0xFFFFFF90];
	[tilespmem:s8+$0x0] =	vst v3;
	v1 =	vmul.f32 $8.000000000e+00, v7  }
.Ltmp2:
0x56: {  	[tilespmem:s8+$0xFFFFFF00] =	vst v4;
	v3 =	vld [tilespmem:s6+$0x10];
	v0 =	vmul.f32 $8.000000000e+00, v0;
	(pc) =	sbr.rel @p1 .LBB2_3-.Ltmp2, $4  }
0x57: {  	v4 =	vld [tilespmem:s6+$0xFFFFFF10];
	[tilespmem:s1+$0xFFFFFF20] =	vst v1;
	v2 =	vmul.f32 $8.000000000e+00, v2  }
0x58: {  	v7 =	vmul.f32 $8.000000000e+00, v6;
	v1 =	vld [tilespmem:s0+$0xFFFFFF30];
	[tilespmem:s1+$0xFFFFFFA0] =	vst v0  }
0x59: {  	v0 =	vld [tilespmem:s0+$0xFFFFFFB0];
	[tilespmem:s1+$0x20] =	vst v2;
	v5 =	vmul.f32 $8.000000000e+00, v5  }
0x5a: {  	v6 =	vmul.f32 $8.000000000e+00, v8;
	[tilespmem:s8+$0x90] =	vst v7;
	v2 =	vld [tilespmem:s0+$0x30];
	s0 =	smov.u32 s6;
	s6 =	sadd.s32 $0x200, s6  }
0x5b: {  	v3 =	vmul.f32 $8.000000000e+00, v3  }
0x5c: {  	v7 =	vld [tilespmem:s0+$0xA0];
	v4 =	vmul.f32 $8.000000000e+00, v4;
	[tilespmem:s8+$0xFFFFFF90] =	vst v6  }
0x5d: {  	[tilespmem:s8+$0x10] =	vst v3;
	v53 =	vld [tilespmem:s0+$0xFFFFFFA0]  }
0x5e: {  	[tilespmem:s8+$0xFFFFFF10] =	vst v4;
	v54 =	vld [tilespmem:s0+$0x20]  }
0x5f: {  	v4 =	vld [tilespmem:s0+$0xFFFFFF20];
	_ =	sdelay $0x1  }
0x60: {  	v7 =	vmul.f32 $8.000000000e+00, v7  }
0x61: {  	v3 =	vmul.f32 $8.000000000e+00, v53  }
0x62: {  	[tilespmem:s8+$0xA0] =	vst v7;
	v6 =	vmul.f32 $8.000000000e+00, v54  }
0x63: {  	v55 =	vld [tilespmem:s0+$0xB0];
	v4 =	vmul.f32 $8.000000000e+00, v4;
	[tilespmem:s8+$0xFFFFFFA0] =	vst v3  }
0x64: {  	[tilespmem:s8+$0x20] =	vst v6;
	v57 =	vld [tilespmem:s0+$0xFFFFFFB0]  }
0x65: {  	v1 =	vmul.f32 $8.000000000e+00, v1;
	[tilespmem:s8+$0xFFFFFF20] =	vst v4;
	v58 =	vld [tilespmem:s0+$0x30]  }
0x66: {  	[tilespmem:s1+$0xB0] =	vst v5;
	v0 =	vmul.f32 $8.000000000e+00, v0;
	v56 =	vld [tilespmem:s0+$0xFFFFFF30]  }
0x67: {  	[tilespmem:s1+$0xFFFFFF30] =	vst v1;
	v59 =	vmul.f32 $8.000000000e+00, v2  }
0x68: {  	[tilespmem:s1+$0xFFFFFFB0] =	vst v0;
	v60 =	vmul.f32 $8.000000000e+00, v55  }
0x69: {  	[tilespmem:s1+$0x30] =	vst v59;
	v62 =	vmul.f32 $8.000000000e+00, v57  }
0x6a: {  	[tilespmem:s8+$0xB0] =	vst v60;
	v63 =	vmul.f32 $8.000000000e+00, v58  }
0x6b: {  	v61 =	vmul.f32 $8.000000000e+00, v56;
	[tilespmem:s8+$0xFFFFFFB0] =	vst v62  }
0x6c: {  	[tilespmem:s8+$0x30] =	vst v63  }
0x6d: {  	s0 =	simm.s32 $0x0;
	[tilespmem:s8+$0xFFFFFF30] =	vst v61  }
.LBB2_5:
0x6e: {  	s1 =	sshra.s32 s0, $0x2  }
0x6f: {  	v0 =	vld [tilespmem:s1+$0x1A00]  }
0x70: {  	v1 =	vld [tilespmem:s1+$0x1A10]  }
0x71: {  	v2 =	vld [tilespmem:s1+$0x1A20]  }
0x72: {  	v3 =	vld [tilespmem:s1+$0x1A30];
	_ =	sdelay $0x1  }
0x73: {  	p1 =	sne.s32 s0, $0x200;
	v0 =	vmul.f32 $8.000000000e+00, v0  }
.Ltmp3:
0x74: {  	v1 =	vmul.f32 $8.000000000e+00, v1;
	(pc) =	sbr.rel @p1 .LBB2_5-.Ltmp3, $4  }
0x75: {  	v62 =	vmul.f32 $8.000000000e+00, v2;
	[tilespmem:s1+$0xE200] =	vst v0  }
0x76: {  	v63 =	vmul.f32 $8.000000000e+00, v3;
	[tilespmem:s1+$0xE210] =	vst v1  }
0x77: {  	[tilespmem:s1+$0xE220] =	vst v62  }
0x78: {  	s0 =	sadd.s32 $0x200, s0;
	[tilespmem:s1+$0xE230] =	vst v63  }
0x79: {  	s29 =	simm.s32 $0x1CB0  }
0x7a: {  	v0 =	vld [tilespmem:s29+$0xFFFFFFD0];
	_ =	sdelay $0x3  }
0x7b: {  	v1 =	vld [tilespmem:s29+$0xFFFFFE50]  }
0x7c: {  	v2 =	vld [tilespmem:s29+$0xFFFFFED0];
	v0 =	vmul.f32 $8.000000000e+00, v0  }
0x7d: {  	s1 =	simm.s32 $0xE7B0;
	v3 =	vld [tilespmem:s29+$0xFFFFFF50]  }
0x7e: {  	[tilespmem:s1+$0xFFFFFFD0] =	vst v0  }
0x7f: {  	v0 =	vld [tilespmem:s29+$0xFFFFFFE0]  }
0x80: {  	v1 =	vmul.f32 $8.000000000e+00, v1  }
0x81: {  	v2 =	vmul.f32 $8.000000000e+00, v2  }
0x82: {  	v3 =	vmul.f32 $8.000000000e+00, v3;
	[tilespmem:s1+$0xFFFFFE50] =	vst v1  }
0x83: {  	[tilespmem:s1+$0xFFFFFED0] =	vst v2;
	v1 =	vld [tilespmem:s29+$0xFFFFFE60]  }
0x84: {  	[tilespmem:s1+$0xFFFFFF50] =	vst v3;
	v2 =	vld [tilespmem:s29+$0xFFFFFEE0];
	v0 =	vmul.f32 $8.000000000e+00, v0  }
0x85: {  	s0 =	simm.s32 $0x1EB0;
	v3 =	vld [tilespmem:s29+$0xFFFFFF60]  }
0x86: {  	[tilespmem:s1+$0xFFFFFFE0] =	vst v0;
	v0 =	vld [tilespmem:s0+$0xFFFFFFD0]  }
0x87: {  	v4 =	vld [tilespmem:s29+$0xFFFFFFF0]  }
0x88: {  	v5 =	vld [tilespmem:s0+$0xFFFFFED0];
	v1 =	vmul.f32 $8.000000000e+00, v1  }
0x89: {  	v6 =	vld [tilespmem:s0+$0xFFFFFF50];
	v2 =	vmul.f32 $8.000000000e+00, v2  }
0x8a: {  	v3 =	vmul.f32 $8.000000000e+00, v3;
	[tilespmem:s1+$0xFFFFFE60] =	vst v1;
	v1 =	vld [tilespmem:s0+$0xFFFFFE50]  }
0x8b: {  	[tilespmem:s1+$0xFFFFFEE0] =	vst v2;
	v2 =	vld [tilespmem:s29+$0xFFFFFE70];
	v0 =	vmul.f32 $8.000000000e+00, v0  }
0x8c: {  	s8 =	simm.s32 $0xE9B0;
	[tilespmem:s1+$0xFFFFFF60] =	vst v3;
	v7 =	vld [tilespmem:s29+$0xFFFFFEF0];
	v3 =	vmul.f32 $8.000000000e+00, v4  }
0x8d: {  	v4 =	vmul.f32 $8.000000000e+00, v5;
	[tilespmem:s8+$0xFFFFFFD0] =	vst v0;
	v0 =	vld [tilespmem:s29+$0xFFFFFF70]  }
0x8e: {  	v5 =	vmul.f32 $8.000000000e+00, v6;
	v6 =	vld [tilespmem:s0+$0xFFFFFFE0];
	[tilespmem:s1+$0xFFFFFFF0] =	vst v3  }
0x8f: {  	v1 =	vmul.f32 $8.000000000e+00, v1;
	[tilespmem:s8+$0xFFFFFED0] =	vst v4;
	v8 =	vld [tilespmem:s29+$0x0]  }
0x90: {  	v2 =	vmul.f32 $8.000000000e+00, v2;
	[tilespmem:s8+$0xFFFFFF50] =	vst v5;
	v9 =	vld [tilespmem:s0+$0xFFFFFEE0]  }
0x91: {  	[tilespmem:s8+$0xFFFFFE50] =	vst v1;
	v5 =	vmul.f32 $8.000000000e+00, v7;
	v3 =	vld [tilespmem:s0+$0xFFFFFF60]  }
0x92: {  	v4 =	vld [tilespmem:s0+$0xFFFFFE60];
	[tilespmem:s1+$0xFFFFFE70] =	vst v2;
	v2 =	vmul.f32 $8.000000000e+00, v0  }
0x93: {  	v1 =	vld [tilespmem:s29+$0xFFFFFE80];
	[tilespmem:s1+$0xFFFFFEF0] =	vst v5;
	v7 =	vmul.f32 $8.000000000e+00, v6  }
0x94: {  	v0 =	vld [tilespmem:s29+$0xFFFFFF00];
	[tilespmem:s1+$0xFFFFFF70] =	vst v2;
	v5 =	vmul.f32 $8.000000000e+00, v8  }
0x95: {  	s11 =	simm.s32 $0x4;
	s6 =	simm.s32 $0x20B0;
	v6 =	vmul.f32 $8.000000000e+00, v9;
	[tilespmem:s8+$0xFFFFFFE0] =	vst v7;
	v2 =	vld [tilespmem:s29+$0xFFFFFF80]  }
.LBB2_7:
0x96: {  	v7 =	vld [tilespmem:s6+$0xFFFFFFD0];
	v3 =	vmul.f32 $8.000000000e+00, v3;
	[tilespmem:s1+$0x0] =	vst v5  }
0x97: {  	s11 =	sadd.s32 $0x4, s11;
	v4 =	vmul.f32 $8.000000000e+00, v4;
	[tilespmem:s8+$0xFFFFFEE0] =	vst v6;
	v5 =	vld [tilespmem:s0+$0xFFFFFFF0]  }
0x98: {  	p1 =	slt.u32 s11, $0x2C;
	v6 =	vld [tilespmem:s6+$0xFFFFFED0];
	[tilespmem:s8+$0xFFFFFF60] =	vst v3;
	v1 =	vmul.f32 $8.000000000e+00, v1  }
0x99: {  	v3 =	vld [tilespmem:s6+$0xFFFFFF50];
	[tilespmem:s8+$0xFFFFFE60] =	vst v4;
	v0 =	vmul.f32 $8.000000000e+00, v0  }
0x9a: {  	v4 =	vld [tilespmem:s6+$0xFFFFFE50];
	[tilespmem:s1+$0xFFFFFE80] =	vst v1;
	v1 =	vmul.f32 $8.000000000e+00, v2  }
0x9b: {  	v2 =	vmul.f32 $8.000000000e+00, v7;
	v7 =	vld [tilespmem:s0+$0xFFFFFE70];
	[tilespmem:s1+$0xFFFFFF00] =	vst v0  }
0x9c: {  	v0 =	vld [tilespmem:s0+$0xFFFFFEF0];
	v5 =	vmul.f32 $8.000000000e+00, v5;
	[tilespmem:s1+$0xFFFFFF80] =	vst v1;
	s1 =	smov.u32 s8;
	s8 =	sadd.s32 $0x200, s8  }
0x9d: {  	v1 =	vmul.f32 $8.000000000e+00, v6;
	[tilespmem:s8+$0xFFFFFFD0] =	vst v2;
	v2 =	vld [tilespmem:s0+$0xFFFFFF70]  }
0x9e: {  	v3 =	vmul.f32 $8.000000000e+00, v3;
	v6 =	vld [tilespmem:s6+$0xFFFFFFE0];
	[tilespmem:s1+$0xFFFFFFF0] =	vst v5  }
0x9f: {  	v4 =	vmul.f32 $8.000000000e+00, v4;
	[tilespmem:s8+$0xFFFFFED0] =	vst v1;
	v5 =	vld [tilespmem:s0+$0x0]  }
0xa0: {  	v8 =	vld [tilespmem:s6+$0xFFFFFEE0];
	[tilespmem:s8+$0xFFFFFF50] =	vst v3;
	v1 =	vmul.f32 $8.000000000e+00, v7  }
.Ltmp4:
0xa1: {  	[tilespmem:s8+$0xFFFFFE50] =	vst v4;
	v3 =	vld [tilespmem:s6+$0xFFFFFF60];
	v0 =	vmul.f32 $8.000000000e+00, v0;
	(pc) =	sbr.rel @p1 .LBB2_7-.Ltmp4, $4  }
0xa2: {  	v4 =	vld [tilespmem:s6+$0xFFFFFE60];
	[tilespmem:s1+$0xFFFFFE70] =	vst v1;
	v2 =	vmul.f32 $8.000000000e+00, v2  }
0xa3: {  	v7 =	vmul.f32 $8.000000000e+00, v6;
	v1 =	vld [tilespmem:s0+$0xFFFFFE80];
	[tilespmem:s1+$0xFFFFFEF0] =	vst v0  }
0xa4: {  	v0 =	vld [tilespmem:s0+$0xFFFFFF00];
	[tilespmem:s1+$0xFFFFFF70] =	vst v2;
	v5 =	vmul.f32 $8.000000000e+00, v5  }
0xa5: {  	v6 =	vmul.f32 $8.000000000e+00, v8;
	[tilespmem:s8+$0xFFFFFFE0] =	vst v7;
	v2 =	vld [tilespmem:s0+$0xFFFFFF80];
	s0 =	smov.u32 s6;
	s6 =	sadd.s32 $0x200, s6  }
0xa6: {  	v3 =	vmul.f32 $8.000000000e+00, v3  }
0xa7: {  	v7 =	vld [tilespmem:s0+$0xFFFFFFF0];
	v4 =	vmul.f32 $8.000000000e+00, v4;
	[tilespmem:s8+$0xFFFFFEE0] =	vst v6  }
0xa8: {  	[tilespmem:s8+$0xFFFFFF60] =	vst v3;
	v53 =	vld [tilespmem:s0+$0xFFFFFEF0]  }
0xa9: {  	[tilespmem:s8+$0xFFFFFE60] =	vst v4;
	v54 =	vld [tilespmem:s0+$0xFFFFFF70]  }
0xaa: {  	v4 =	vld [tilespmem:s0+$0xFFFFFE70];
	_ =	sdelay $0x1  }
0xab: {  	v7 =	vmul.f32 $8.000000000e+00, v7  }
0xac: {  	v3 =	vmul.f32 $8.000000000e+00, v53  }
0xad: {  	[tilespmem:s8+$0xFFFFFFF0] =	vst v7;
	v6 =	vmul.f32 $8.000000000e+00, v54  }
0xae: {  	v55 =	vld [tilespmem:s0+$0x0];
	v4 =	vmul.f32 $8.000000000e+00, v4;
	[tilespmem:s8+$0xFFFFFEF0] =	vst v3  }
0xaf: {  	[tilespmem:s8+$0xFFFFFF70] =	vst v6;
	v57 =	vld [tilespmem:s0+$0xFFFFFF00]  }
0xb0: {  	v1 =	vmul.f32 $8.000000000e+00, v1;
	[tilespmem:s8+$0xFFFFFE70] =	vst v4;
	v58 =	vld [tilespmem:s0+$0xFFFFFF80]  }
0xb1: {  	[tilespmem:s1+$0x0] =	vst v5;
	v0 =	vmul.f32 $8.000000000e+00, v0;
	v56 =	vld [tilespmem:s0+$0xFFFFFE80]  }
0xb2: {  	[tilespmem:s1+$0xFFFFFE80] =	vst v1;
	v59 =	vmul.f32 $8.000000000e+00, v2  }
0xb3: {  	[tilespmem:s1+$0xFFFFFF00] =	vst v0;
	v60 =	vmul.f32 $8.000000000e+00, v55  }
0xb4: {  	[tilespmem:s1+$0xFFFFFF80] =	vst v59;
	v62 =	vmul.f32 $8.000000000e+00, v57  }
0xb5: {  	[tilespmem:s8+$0x0] =	vst v60;
	v63 =	vmul.f32 $8.000000000e+00, v58  }
0xb6: {  	v61 =	vmul.f32 $8.000000000e+00, v56;
	[tilespmem:s8+$0xFFFFFF00] =	vst v62  }
0xb7: {  	[tilespmem:s8+$0xFFFFFF80] =	vst v63  }
0xb8: {  	s0 =	simm.s32 $0x0;
	[tilespmem:s8+$0xFFFFFE80] =	vst v61  }
.LBB2_9:
0xb9: {  	s1 =	sshra.s32 s0, $0x2  }
0xba: {  	v0 =	vld [tilespmem:s1+$0x3300]  }
0xbb: {  	v1 =	vld [tilespmem:s1+$0x3310]  }
0xbc: {  	v2 =	vld [tilespmem:s1+$0x3320]  }
0xbd: {  	v3 =	vld [tilespmem:s1+$0x3330];
	_ =	sdelay $0x1  }
0xbe: {  	p1 =	sne.s32 s0, $0x200;
	v0 =	vmul.f32 $8.000000000e+00, v0  }
.Ltmp5:
0xbf: {  	v1 =	vmul.f32 $8.000000000e+00, v1;
	(pc) =	sbr.rel @p1 .LBB2_9-.Ltmp5, $4  }
0xc0: {  	v62 =	vmul.f32 $8.000000000e+00, v2;
	[tilespmem:s1+$0xFE00] =	vst v0  }
0xc1: {  	v63 =	vmul.f32 $8.000000000e+00, v3;
	[tilespmem:s1+$0xFE10] =	vst v1  }
0xc2: {  	[tilespmem:s1+$0xFE20] =	vst v62  }
0xc3: {  	s0 =	sadd.s32 $0x200, s0;
	[tilespmem:s1+$0xFE30] =	vst v63  }
0xc4: {  	s29 =	simm.s32 $0x35B0  }
0xc5: {  	v0 =	vld [tilespmem:s29+$0xFFFFFFD0];
	_ =	sdelay $0x3  }
0xc6: {  	v1 =	vld [tilespmem:s29+$0xFFFFFE50]  }
0xc7: {  	v2 =	vld [tilespmem:s29+$0xFFFFFED0];
	v0 =	vmul.f32 $8.000000000e+00, v0  }
0xc8: {  	s1 =	simm.s32 $0x103B0;
	v3 =	vld [tilespmem:s29+$0xFFFFFF50]  }
0xc9: {  	[tilespmem:s1+$0xFFFFFFD0] =	vst v0  }
0xca: {  	v0 =	vld [tilespmem:s29+$0xFFFFFFE0]  }
0xcb: {  	v1 =	vmul.f32 $8.000000000e+00, v1  }
0xcc: {  	v2 =	vmul.f32 $8.000000000e+00, v2  }
0xcd: {  	v3 =	vmul.f32 $8.000000000e+00, v3;
	[tilespmem:s1+$0xFFFFFE50] =	vst v1  }
0xce: {  	[tilespmem:s1+$0xFFFFFED0] =	vst v2;
	v1 =	vld [tilespmem:s29+$0xFFFFFE60]  }
0xcf: {  	[tilespmem:s1+$0xFFFFFF50] =	vst v3;
	v2 =	vld [tilespmem:s29+$0xFFFFFEE0];
	v0 =	vmul.f32 $8.000000000e+00, v0  }
0xd0: {  	s0 =	simm.s32 $0x37B0;
	v3 =	vld [tilespmem:s29+$0xFFFFFF60]  }
0xd1: {  	[tilespmem:s1+$0xFFFFFFE0] =	vst v0;
	v0 =	vld [tilespmem:s0+$0xFFFFFFD0]  }
0xd2: {  	v4 =	vld [tilespmem:s29+$0xFFFFFFF0]  }
0xd3: {  	v5 =	vld [tilespmem:s0+$0xFFFFFED0];
	v1 =	vmul.f32 $8.000000000e+00, v1  }
0xd4: {  	v6 =	vld [tilespmem:s0+$0xFFFFFF50];
	v2 =	vmul.f32 $8.000000000e+00, v2  }
0xd5: {  	v3 =	vmul.f32 $8.000000000e+00, v3;
	[tilespmem:s1+$0xFFFFFE60] =	vst v1;
	v1 =	vld [tilespmem:s0+$0xFFFFFE50]  }
0xd6: {  	[tilespmem:s1+$0xFFFFFEE0] =	vst v2;
	v2 =	vld [tilespmem:s29+$0xFFFFFE70];
	v0 =	vmul.f32 $8.000000000e+00, v0  }
0xd7: {  	s8 =	simm.s32 $0x105B0;
	[tilespmem:s1+$0xFFFFFF60] =	vst v3;
	v7 =	vld [tilespmem:s29+$0xFFFFFEF0];
	v3 =	vmul.f32 $8.000000000e+00, v4  }
0xd8: {  	v4 =	vmul.f32 $8.000000000e+00, v5;
	[tilespmem:s8+$0xFFFFFFD0] =	vst v0;
	v0 =	vld [tilespmem:s29+$0xFFFFFF70]  }
0xd9: {  	v5 =	vmul.f32 $8.000000000e+00, v6;
	v6 =	vld [tilespmem:s0+$0xFFFFFFE0];
	[tilespmem:s1+$0xFFFFFFF0] =	vst v3  }
0xda: {  	v1 =	vmul.f32 $8.000000000e+00, v1;
	[tilespmem:s8+$0xFFFFFED0] =	vst v4;
	v8 =	vld [tilespmem:s29+$0x0]  }
0xdb: {  	v2 =	vmul.f32 $8.000000000e+00, v2;
	[tilespmem:s8+$0xFFFFFF50] =	vst v5;
	v9 =	vld [tilespmem:s0+$0xFFFFFEE0]  }
0xdc: {  	[tilespmem:s8+$0xFFFFFE50] =	vst v1;
	v5 =	vmul.f32 $8.000000000e+00, v7;
	v3 =	vld [tilespmem:s0+$0xFFFFFF60]  }
0xdd: {  	v4 =	vld [tilespmem:s0+$0xFFFFFE60];
	[tilespmem:s1+$0xFFFFFE70] =	vst v2;
	v2 =	vmul.f32 $8.000000000e+00, v0  }
0xde: {  	v1 =	vld [tilespmem:s29+$0xFFFFFE80];
	[tilespmem:s1+$0xFFFFFEF0] =	vst v5;
	v7 =	vmul.f32 $8.000000000e+00, v6  }
0xdf: {  	v0 =	vld [tilespmem:s29+$0xFFFFFF00];
	[tilespmem:s1+$0xFFFFFF70] =	vst v2;
	v5 =	vmul.f32 $8.000000000e+00, v8  }
0xe0: {  	s11 =	simm.s32 $0x4;
	s6 =	simm.s32 $0x39B0;
	v6 =	vmul.f32 $8.000000000e+00, v9;
	[tilespmem:s8+$0xFFFFFFE0] =	vst v7;
	v2 =	vld [tilespmem:s29+$0xFFFFFF80]  }
.LBB2_11:
0xe1: {  	v7 =	vld [tilespmem:s6+$0xFFFFFFD0];
	v3 =	vmul.f32 $8.000000000e+00, v3;
	[tilespmem:s1+$0x0] =	vst v5  }
0xe2: {  	s11 =	sadd.s32 $0x4, s11;
	v4 =	vmul.f32 $8.000000000e+00, v4;
	[tilespmem:s8+$0xFFFFFEE0] =	vst v6;
	v5 =	vld [tilespmem:s0+$0xFFFFFFF0]  }
0xe3: {  	p1 =	slt.u32 s11, $0x2C;
	v6 =	vld [tilespmem:s6+$0xFFFFFED0];
	[tilespmem:s8+$0xFFFFFF60] =	vst v3;
	v1 =	vmul.f32 $8.000000000e+00, v1  }
0xe4: {  	v3 =	vld [tilespmem:s6+$0xFFFFFF50];
	[tilespmem:s8+$0xFFFFFE60] =	vst v4;
	v0 =	vmul.f32 $8.000000000e+00, v0  }
0xe5: {  	v4 =	vld [tilespmem:s6+$0xFFFFFE50];
	[tilespmem:s1+$0xFFFFFE80] =	vst v1;
	v1 =	vmul.f32 $8.000000000e+00, v2  }
0xe6: {  	v2 =	vmul.f32 $8.000000000e+00, v7;
	v7 =	vld [tilespmem:s0+$0xFFFFFE70];
	[tilespmem:s1+$0xFFFFFF00] =	vst v0  }
0xe7: {  	v0 =	vld [tilespmem:s0+$0xFFFFFEF0];
	v5 =	vmul.f32 $8.000000000e+00, v5;
	[tilespmem:s1+$0xFFFFFF80] =	vst v1;
	s1 =	smov.u32 s8;
	s8 =	sadd.s32 $0x200, s8  }
0xe8: {  	v1 =	vmul.f32 $8.000000000e+00, v6;
	[tilespmem:s8+$0xFFFFFFD0] =	vst v2;
	v2 =	vld [tilespmem:s0+$0xFFFFFF70]  }
0xe9: {  	v3 =	vmul.f32 $8.000000000e+00, v3;
	v6 =	vld [tilespmem:s6+$0xFFFFFFE0];
	[tilespmem:s1+$0xFFFFFFF0] =	vst v5  }
0xea: {  	v4 =	vmul.f32 $8.000000000e+00, v4;
	[tilespmem:s8+$0xFFFFFED0] =	vst v1;
	v5 =	vld [tilespmem:s0+$0x0]  }
0xeb: {  	v8 =	vld [tilespmem:s6+$0xFFFFFEE0];
	[tilespmem:s8+$0xFFFFFF50] =	vst v3;
	v1 =	vmul.f32 $8.000000000e+00, v7  }
.Ltmp6:
0xec: {  	[tilespmem:s8+$0xFFFFFE50] =	vst v4;
	v3 =	vld [tilespmem:s6+$0xFFFFFF60];
	v0 =	vmul.f32 $8.000000000e+00, v0;
	(pc) =	sbr.rel @p1 .LBB2_11-.Ltmp6, $4  }
0xed: {  	v4 =	vld [tilespmem:s6+$0xFFFFFE60];
	[tilespmem:s1+$0xFFFFFE70] =	vst v1;
	v2 =	vmul.f32 $8.000000000e+00, v2  }
0xee: {  	v7 =	vmul.f32 $8.000000000e+00, v6;
	v1 =	vld [tilespmem:s0+$0xFFFFFE80];
	[tilespmem:s1+$0xFFFFFEF0] =	vst v0  }
0xef: {  	v0 =	vld [tilespmem:s0+$0xFFFFFF00];
	[tilespmem:s1+$0xFFFFFF70] =	vst v2;
	v5 =	vmul.f32 $8.000000000e+00, v5  }
0xf0: {  	v6 =	vmul.f32 $8.000000000e+00, v8;
	[tilespmem:s8+$0xFFFFFFE0] =	vst v7;
	v2 =	vld [tilespmem:s0+$0xFFFFFF80];
	s0 =	smov.u32 s6;
	s6 =	sadd.s32 $0x200, s6  }
0xf1: {  	v3 =	vmul.f32 $8.000000000e+00, v3  }
0xf2: {  	v7 =	vld [tilespmem:s0+$0xFFFFFFF0];
	v4 =	vmul.f32 $8.000000000e+00, v4;
	[tilespmem:s8+$0xFFFFFEE0] =	vst v6  }
0xf3: {  	[tilespmem:s8+$0xFFFFFF60] =	vst v3;
	v53 =	vld [tilespmem:s0+$0xFFFFFEF0]  }
0xf4: {  	[tilespmem:s8+$0xFFFFFE60] =	vst v4;
	v54 =	vld [tilespmem:s0+$0xFFFFFF70]  }
0xf5: {  	v4 =	vld [tilespmem:s0+$0xFFFFFE70];
	_ =	sdelay $0x1  }
0xf6: {  	v7 =	vmul.f32 $8.000000000e+00, v7  }
0xf7: {  	v3 =	vmul.f32 $8.000000000e+00, v53  }
0xf8: {  	[tilespmem:s8+$0xFFFFFFF0] =	vst v7;
	v6 =	vmul.f32 $8.000000000e+00, v54  }
0xf9: {  	v55 =	vld [tilespmem:s0+$0x0];
	v4 =	vmul.f32 $8.000000000e+00, v4;
	[tilespmem:s8+$0xFFFFFEF0] =	vst v3  }
0xfa: {  	[tilespmem:s8+$0xFFFFFF70] =	vst v6;
	v57 =	vld [tilespmem:s0+$0xFFFFFF00]  }
0xfb: {  	v1 =	vmul.f32 $8.000000000e+00, v1;
	[tilespmem:s8+$0xFFFFFE70] =	vst v4;
	v58 =	vld [tilespmem:s0+$0xFFFFFF80]  }
0xfc: {  	[tilespmem:s1+$0x0] =	vst v5;
	v0 =	vmul.f32 $8.000000000e+00, v0;
	v56 =	vld [tilespmem:s0+$0xFFFFFE80]  }
0xfd: {  	[tilespmem:s1+$0xFFFFFE80] =	vst v1;
	v59 =	vmul.f32 $8.000000000e+00, v2  }
0xfe: {  	[tilespmem:s1+$0xFFFFFF00] =	vst v0;
	v60 =	vmul.f32 $8.000000000e+00, v55  }
0xff: {  	[tilespmem:s1+$0xFFFFFF80] =	vst v59;
	v62 =	vmul.f32 $8.000000000e+00, v57  }
0x100: {  	[tilespmem:s8+$0x0] =	vst v60;
	v63 =	vmul.f32 $8.000000000e+00, v58  }
0x101: {  	v61 =	vmul.f32 $8.000000000e+00, v56;
	[tilespmem:s8+$0xFFFFFF00] =	vst v62  }
0x102: {  	[tilespmem:s8+$0xFFFFFF80] =	vst v63  }
0x103: {  	s0 =	simm.s32 $0x0;
	[tilespmem:s8+$0xFFFFFE80] =	vst v61  }
.LBB2_13:
0x104: {  	s1 =	sshra.s32 s0, $0x2  }
0x105: {  	v0 =	vld [tilespmem:s1+$0x4C00]  }
0x106: {  	v1 =	vld [tilespmem:s1+$0x4C10]  }
0x107: {  	v2 =	vld [tilespmem:s1+$0x4C20]  }
0x108: {  	v3 =	vld [tilespmem:s1+$0x4C30];
	_ =	sdelay $0x1  }
0x109: {  	p1 =	sne.s32 s0, $0x200;
	v0 =	vmul.f32 $8.000000000e+00, v0  }
.Ltmp7:
0x10a: {  	v1 =	vmul.f32 $8.000000000e+00, v1;
	(pc) =	sbr.rel @p1 .LBB2_13-.Ltmp7, $4  }
0x10b: {  	v62 =	vmul.f32 $8.000000000e+00, v2;
	[tilespmem:s1+$0x11A00] =	vst v0  }
0x10c: {  	v63 =	vmul.f32 $8.000000000e+00, v3;
	[tilespmem:s1+$0x11A10] =	vst v1  }
0x10d: {  	[tilespmem:s1+$0x11A20] =	vst v62  }
0x10e: {  	s0 =	sadd.s32 $0x200, s0;
	[tilespmem:s1+$0x11A30] =	vst v63  }
0x10f: {  	s0 =	simm.s32 $0x0  }
0x110: {  	v0 =	vld [tilespmem:s0+$0x4EB0]  }
0x111: {  	v1 =	vld [tilespmem:s0+$0x4D00]  }
0x112: {  	v2 =	vld [tilespmem:s0+$0x4D10]  }
0x113: {  	v3 =	vld [tilespmem:s0+$0x4D20]  }
0x114: {  	v7 =	vld [tilespmem:s0+$0x4DA0]  }
0x115: {  	v4 =	vld [tilespmem:s0+$0x4D30]  }
0x116: {  	v0 =	vmul.f32 $8.000000000e+00, v0  }
0x117: {  	v5 =	vld [tilespmem:s0+$0x4D80];
	v1 =	vmul.f32 $8.000000000e+00, v1  }
0x118: {  	v6 =	vld [tilespmem:s0+$0x4D90];
	v2 =	vmul.f32 $8.000000000e+00, v2;
	[tilespmem:s0+$0x11FB0] =	vst v0  }
0x119: {  	v8 =	vld [tilespmem:s0+$0x4DB0];
	v7 =	vmul.f32 $8.000000000e+00, v7;
	[tilespmem:s0+$0x11E00] =	vst v1  }
0x11a: {  	v0 =	vmul.f32 $8.000000000e+00, v3;
	[tilespmem:s0+$0x11E10] =	vst v2;
	v1 =	vmul.f32 $8.000000000e+00, v4;
	v4 =	vld [tilespmem:s0+$0x4E00]  }
0x11b: {  	v3 =	vld [tilespmem:s0+$0x4E10];
	[tilespmem:s0+$0x11EA0] =	vst v7  }
0x11c: {  	v2 =	vmul.f32 $8.000000000e+00, v5;
	[tilespmem:s0+$0x11E20] =	vst v0;
	v0 =	vld [tilespmem:s0+$0x4E20]  }
0x11d: {  	v5 =	vmul.f32 $8.000000000e+00, v6;
	[tilespmem:s0+$0x11E30] =	vst v1;
	v1 =	vld [tilespmem:s0+$0x4E30]  }
0x11e: {  	v6 =	vmul.f32 $8.000000000e+00, v8;
	[tilespmem:s0+$0x11E80] =	vst v2;
	v2 =	vld [tilespmem:s0+$0x4E80]  }
0x11f: {  	s1 =	simm.s32 $0x0;
	s6 =	simm.s32 $0x800;
	[tilespmem:s0+$0x11E90] =	vst v5;
	v5 =	vmul.f32 $8.000000000e+00, v4;
	v4 =	vld [tilespmem:s0+$0x4E90]  }
.LBB2_15:
0x120: {  	s8 =	sshra.s32 s6, $0x2;
	s1 =	sadd.s32 $0x4, s1;
	[tilespmem:s0+$0x11EB0] =	vst v6;
	v3 =	vmul.f32 $8.000000000e+00, v3;
	v6 =	vld [tilespmem:s0+$0x4EA0]  }
0x121: {  	v7 =	vld [tilespmem:s8+$0x4EB0];
	p1 =	slt.u32 s1, $0x2C;
	[tilespmem:s0+$0x11F00] =	vst v5;
	v0 =	vmul.f32 $8.000000000e+00, v0  }
0x122: {  	v5 =	vld [tilespmem:s8+$0x4D00];
	[tilespmem:s0+$0x11F10] =	vst v3;
	v1 =	vmul.f32 $8.000000000e+00, v1  }
0x123: {  	v3 =	vld [tilespmem:s8+$0x4D10];
	[tilespmem:s0+$0x11F20] =	vst v0;
	v0 =	vmul.f32 $8.000000000e+00, v2  }
0x124: {  	v2 =	vld [tilespmem:s8+$0x4D20];
	[tilespmem:s0+$0x11F30] =	vst v1;
	v1 =	vmul.f32 $8.000000000e+00, v4  }
0x125: {  	v4 =	vld [tilespmem:s8+$0x4D30];
	[tilespmem:s0+$0x11F80] =	vst v0;
	v0 =	vmul.f32 $8.000000000e+00, v6  }
0x126: {  	v6 =	vld [tilespmem:s8+$0x4D80];
	v7 =	vmul.f32 $8.000000000e+00, v7;
	[tilespmem:s0+$0x11F90] =	vst v1  }
0x127: {  	v1 =	vmul.f32 $8.000000000e+00, v5;
	v5 =	vld [tilespmem:s8+$0x4D90];
	[tilespmem:s0+$0x11FA0] =	vst v0;
	s0 =	smov.u32 s8  }
0x128: {  	s8 =	simm.s32 $0x0;
	v0 =	vmul.f32 $8.000000000e+00, v3;
	v8 =	vld [tilespmem:s0+$0x4DA0];
	[tilespmem:s0+$0x11FB0] =	vst v7  }
0x129: {  	[tilespmem:s0+$0x11E00] =	vst v1;
	v1 =	vmul.f32 $8.000000000e+00, v2;
	v2 =	vld [tilespmem:s0+$0x4DB0]  }
0x12a: {  	[tilespmem:s0+$0x11E10] =	vst v0;
	v0 =	vmul.f32 $8.000000000e+00, v4;
	v4 =	vld [tilespmem:s0+$0x4E00]  }
.Ltmp8:
0x12b: {  	[tilespmem:s0+$0x11E20] =	vst v1;
	v1 =	vmul.f32 $8.000000000e+00, v6;
	v3 =	vld [tilespmem:s0+$0x4E10];
	(pc) =	sbr.rel @p1 .LBB2_15-.Ltmp8, $4  }
0x12c: {  	[tilespmem:s0+$0x11E30] =	vst v0;
	v5 =	vmul.f32 $8.000000000e+00, v5;
	v0 =	vld [tilespmem:s0+$0x4E20]  }
0x12d: {  	[tilespmem:s0+$0x11E80] =	vst v1;
	v7 =	vmul.f32 $8.000000000e+00, v8;
	v1 =	vld [tilespmem:s0+$0x4E30]  }
0x12e: {  	[tilespmem:s0+$0x11E90] =	vst v5;
	v6 =	vmul.f32 $8.000000000e+00, v2;
	v2 =	vld [tilespmem:s0+$0x4E80]  }
0x12f: {  	s6 =	sadd.s32 $0x800, s6;
	[tilespmem:s0+$0x11EA0] =	vst v7;
	v5 =	vmul.f32 $8.000000000e+00, v4;
	v4 =	vld [tilespmem:s0+$0x4E90]  }
0x130: {  	[tilespmem:s0+$0x11EB0] =	vst v6;
	v3 =	vmul.f32 $8.000000000e+00, v3;
	v60 =	vld [tilespmem:s0+$0x4EA0]  }
0x131: {  	[tilespmem:s0+$0x11F00] =	vst v5;
	v0 =	vmul.f32 $8.000000000e+00, v0  }
0x132: {  	[tilespmem:s0+$0x11F10] =	vst v3;
	v1 =	vmul.f32 $8.000000000e+00, v1  }
0x133: {  	[tilespmem:s0+$0x11F20] =	vst v0;
	v61 =	vmul.f32 $8.000000000e+00, v2  }
0x134: {  	[tilespmem:s0+$0x11F30] =	vst v1;
	v62 =	vmul.f32 $8.000000000e+00, v4  }
0x135: {  	[tilespmem:s0+$0x11F80] =	vst v61;
	v63 =	vmul.f32 $8.000000000e+00, v60  }
0x136: {  	[tilespmem:s0+$0x11F90] =	vst v62  }
0x137: {  	[tilespmem:s0+$0x11FA0] =	vst v63  }
.LBB2_17:
0x138: {  	s0 =	sshra.s32 s8, $0x2  }
0x139: {  	v0 =	vld [tilespmem:s0+$0x6500]  }
0x13a: {  	v1 =	vld [tilespmem:s0+$0x6510]  }
0x13b: {  	v2 =	vld [tilespmem:s0+$0x6520]  }
0x13c: {  	v3 =	vld [tilespmem:s0+$0x6530];
	_ =	sdelay $0x1  }
0x13d: {  	p1 =	sne.s32 s8, $0x200;
	v0 =	vmul.f32 $8.000000000e+00, v0  }
.Ltmp9:
0x13e: {  	v1 =	vmul.f32 $8.000000000e+00, v1;
	(pc) =	sbr.rel @p1 .LBB2_17-.Ltmp9, $4  }
0x13f: {  	v62 =	vmul.f32 $8.000000000e+00, v2;
	[tilespmem:s0+$0x13600] =	vst v0  }
0x140: {  	v63 =	vmul.f32 $8.000000000e+00, v3;
	[tilespmem:s0+$0x13610] =	vst v1  }
0x141: {  	[tilespmem:s0+$0x13620] =	vst v62  }
0x142: {  	s8 =	sadd.s32 $0x200, s8;
	[tilespmem:s0+$0x13630] =	vst v63  }
0x143: {  	s1 =	sshll.u32 s31, $0x3  }
0x144: {  	s0 =	sadd.s32 s7, s1  }
0x145: {  	s0 =	smul.u32 $0x380, s0;
	_ =	sdelay $0x1  }
0x146: {  	s0 =	sadd.s32 s5, s0  }
0x147: {  	[hbm4b:s0+s3] =	stream.linear.scatter [tilespmem:s18], [sflag:$0x3], $0x1900, $0x38;
	[tilespmem:$0x1AA00] =	vst v63  }
0x148: {  	p1 =	sne.s32 s31, $0x3F;
	s6 =	sadd.s32 $0x380, s0  }
0x149: {  	[hbm4b:s6+s3] =	stream.linear.scatter [tilespmem:s19], [sflag:$0x3], $0x1900, $0x38;
	[tilespmem:$0x1AA00] =	vst v63  }
.Ltmp10:
0x14a: {  	_ = 	snop;
	(pc) =	sbr.rel @p1 .LBB2_20-.Ltmp10, $4  }
0x14b: {  	s30 =	sadd.s32 $0x700, s0  }
0x14c: {  	[hbm4b:s30+s3] =	stream.linear.scatter [tilespmem:s20], [sflag:$0x3], $0x1900, $0x38;
	[tilespmem:$0x1AA00] =	vst v63  }
0x14d: {  	s0 =	sadd.s32 $0xA80, s0  }
0x14e: {  	[hbm4b:s0+s3] =	stream.linear.scatter [tilespmem:s21], [sflag:$0x3], $0x1900, $0x38;
	[tilespmem:$0x1AA00] =	vst v63  }
.Ltmp11:
0x14f: {  	(pc) =	sbr.rel .LBB2_21-.Ltmp11, $4  }
0x150: {  	_ = 	snop  }
0x151: {  	_ =	swait.ge [sflag:s22], $0x6400  }
0x152: {  	[sflag:s22] =	ssyncset.done $0x0  }
0x153: {  	[sflag:s22] =	ssyncadd.s32 $0xFFFF9C00  }
.LBB2_20:
0x154: {  	s0 =	smul.u32 $0x190, s31;
	_ =	sdelay $0x1  }
0x155: {  	s0 =	sadd.s32 s0, s9  }
0x156: {  	s0 =	sshrl.u32 s0, $0x3  }
0x157: {  	s0 =	sadd.s32 s2, s0  }
0x158: {  	[tilespmem:s3], [sflag:$0x5] =	stream.linear.gather [hbm4b:s0+s3], $0xC8, $0x38;
	[tilespmem:$0x1AA00] =	vst v63  }
0x159: {  	_ =	swait.ge [sflag:s12], $0xC8  }
0x15a: {  	[sflag:s12] =	ssyncset.done $0x0  }
.Ltmp12:
0x15b: {  	[sflag:s12] =	ssyncadd.s32 $0xFFFFFF38;
	(pc) =	sbr.rel @p0 .LBB2_22-.Ltmp12, $4  }
0x15c: {  	[tilespmem:s14], [sflag:$0x1] =	stream.indirect.gather [hbm4b:s4+s13], $0x80, s3, s13, $0xb8;
	[tilespmem:$0x1AA00] =	vst v63  }
0x15d: {  	_ =	swait.ge [sflag:s22], $0x6400  }
0x15e: {  	[sflag:s22] =	ssyncset.done $0x0  }
0x15f: {  	[sflag:s22] =	ssyncadd.s32 $0xFFFF9C00  }
.LBB2_21:
0x160: {  	_ =	swait.ge [sflag:s23], $0x6400  }
0x161: {  	[sflag:s23] =	ssyncset.done $0x0  }
0x162: {  	[sflag:s23] =	ssyncadd.s32 $0xFFFF9C00  }
.LBB2_22:
0x163: {  	s30 =	simm.s32 $0x6700  }
0x164: {  	v0 =	vld [tilespmem:s30+$0x80];
	_ =	sdelay $0x3  }
0x165: {  	v1 =	vld [tilespmem:s30+$0xFFFFFF00]  }
0x166: {  	v2 =	vld [tilespmem:s30+$0xFFFFFF80];
	v0 =	vmul.f32 $8.000000000e+00, v0  }
0x167: {  	s0 =	simm.s32 $0x13B00;
	v3 =	vld [tilespmem:s30+$0x0]  }
0x168: {  	[tilespmem:s0+$0x80] =	vst v0  }
0x169: {  	v0 =	vld [tilespmem:s30+$0x90]  }
0x16a: {  	v1 =	vmul.f32 $8.000000000e+00, v1  }
0x16b: {  	v2 =	vmul.f32 $8.000000000e+00, v2  }
0x16c: {  	v3 =	vmul.f32 $8.000000000e+00, v3;
	[tilespmem:s0+$0xFFFFFF00] =	vst v1  }
0x16d: {  	[tilespmem:s0+$0xFFFFFF80] =	vst v2;
	v1 =	vld [tilespmem:s30+$0xFFFFFF10]  }
0x16e: {  	[tilespmem:s0+$0x0] =	vst v3;
	v2 =	vld [tilespmem:s30+$0xFFFFFF90];
	v0 =	vmul.f32 $8.000000000e+00, v0  }
0x16f: {  	s8 =	simm.s32 $0x6900;
	v3 =	vld [tilespmem:s30+$0x10]  }
0x170: {  	[tilespmem:s0+$0x90] =	vst v0;
	v0 =	vld [tilespmem:s8+$0x80]  }
0x171: {  	v4 =	vld [tilespmem:s30+$0xA0]  }
0x172: {  	v5 =	vld [tilespmem:s8+$0xFFFFFF80];
	v1 =	vmul.f32 $8.000000000e+00, v1  }
0x173: {  	v6 =	vld [tilespmem:s8+$0x0];
	v2 =	vmul.f32 $8.000000000e+00, v2  }
0x174: {  	v3 =	vmul.f32 $8.000000000e+00, v3;
	[tilespmem:s0+$0xFFFFFF10] =	vst v1;
	v1 =	vld [tilespmem:s8+$0xFFFFFF00]  }
0x175: {  	[tilespmem:s0+$0xFFFFFF90] =	vst v2;
	v2 =	vld [tilespmem:s30+$0xFFFFFF20];
	v0 =	vmul.f32 $8.000000000e+00, v0  }
0x176: {  	s11 =	simm.s32 $0x13D00;
	[tilespmem:s0+$0x10] =	vst v3;
	v7 =	vld [tilespmem:s30+$0xFFFFFFA0];
	v3 =	vmul.f32 $8.000000000e+00, v4  }
0x177: {  	v4 =	vmul.f32 $8.000000000e+00, v5;
	[tilespmem:s11+$0x80] =	vst v0;
	v0 =	vld [tilespmem:s30+$0x20]  }
0x178: {  	v5 =	vmul.f32 $8.000000000e+00, v6;
	v6 =	vld [tilespmem:s8+$0x90];
	[tilespmem:s0+$0xA0] =	vst v3  }
0x179: {  	v1 =	vmul.f32 $8.000000000e+00, v1;
	[tilespmem:s11+$0xFFFFFF80] =	vst v4;
	v8 =	vld [tilespmem:s30+$0xB0]  }
0x17a: {  	v2 =	vmul.f32 $8.000000000e+00, v2;
	[tilespmem:s11+$0x0] =	vst v5;
	v9 =	vld [tilespmem:s8+$0xFFFFFF90]  }
0x17b: {  	[tilespmem:s11+$0xFFFFFF00] =	vst v1;
	v5 =	vmul.f32 $8.000000000e+00, v7;
	v3 =	vld [tilespmem:s8+$0x10]  }
0x17c: {  	v4 =	vld [tilespmem:s8+$0xFFFFFF10];
	[tilespmem:s0+$0xFFFFFF20] =	vst v2;
	v2 =	vmul.f32 $8.000000000e+00, v0  }
0x17d: {  	v1 =	vld [tilespmem:s30+$0xFFFFFF30];
	[tilespmem:s0+$0xFFFFFFA0] =	vst v5;
	v7 =	vmul.f32 $8.000000000e+00, v6  }
0x17e: {  	v0 =	vld [tilespmem:s30+$0xFFFFFFB0];
	[tilespmem:s0+$0x20] =	vst v2;
	v5 =	vmul.f32 $8.000000000e+00, v8  }
0x17f: {  	s6 =	simm.s32 $0x4;
	s29 =	simm.s32 $0x6B00;
	v6 =	vmul.f32 $8.000000000e+00, v9;
	[tilespmem:s11+$0x90] =	vst v7;
	v2 =	vld [tilespmem:s30+$0x30]  }
.LBB2_23:
0x180: {  	v7 =	vld [tilespmem:s29+$0x80];
	v3 =	vmul.f32 $8.000000000e+00, v3;
	[tilespmem:s0+$0xB0] =	vst v5  }
0x181: {  	s6 =	sadd.s32 $0x4, s6;
	v4 =	vmul.f32 $8.000000000e+00, v4;
	[tilespmem:s11+$0xFFFFFF90] =	vst v6;
	v5 =	vld [tilespmem:s8+$0xA0]  }
0x182: {  	p0 =	slt.u32 s6, $0x2C;
	v6 =	vld [tilespmem:s29+$0xFFFFFF80];
	[tilespmem:s11+$0x10] =	vst v3;
	v1 =	vmul.f32 $8.000000000e+00, v1  }
0x183: {  	v3 =	vld [tilespmem:s29+$0x0];
	[tilespmem:s11+$0xFFFFFF10] =	vst v4;
	v0 =	vmul.f32 $8.000000000e+00, v0  }
0x184: {  	v4 =	vld [tilespmem:s29+$0xFFFFFF00];
	[tilespmem:s0+$0xFFFFFF30] =	vst v1;
	v1 =	vmul.f32 $8.000000000e+00, v2  }
0x185: {  	v2 =	vmul.f32 $8.000000000e+00, v7;
	v7 =	vld [tilespmem:s8+$0xFFFFFF20];
	[tilespmem:s0+$0xFFFFFFB0] =	vst v0  }
0x186: {  	v0 =	vld [tilespmem:s8+$0xFFFFFFA0];
	v5 =	vmul.f32 $8.000000000e+00, v5;
	[tilespmem:s0+$0x30] =	vst v1;
	s0 =	smov.u32 s11;
	s11 =	sadd.s32 $0x200, s11  }
0x187: {  	v1 =	vmul.f32 $8.000000000e+00, v6;
	[tilespmem:s11+$0x80] =	vst v2;
	v2 =	vld [tilespmem:s8+$0x20]  }
0x188: {  	v3 =	vmul.f32 $8.000000000e+00, v3;
	v6 =	vld [tilespmem:s29+$0x90];
	[tilespmem:s0+$0xA0] =	vst v5  }
0x189: {  	v4 =	vmul.f32 $8.000000000e+00, v4;
	[tilespmem:s11+$0xFFFFFF80] =	vst v1;
	v5 =	vld [tilespmem:s8+$0xB0]  }
0x18a: {  	v8 =	vld [tilespmem:s29+$0xFFFFFF90];
	[tilespmem:s11+$0x0] =	vst v3;
	v1 =	vmul.f32 $8.000000000e+00, v7  }
.Ltmp13:
0x18b: {  	[tilespmem:s11+$0xFFFFFF00] =	vst v4;
	v3 =	vld [tilespmem:s29+$0x10];
	v0 =	vmul.f32 $8.000000000e+00, v0;
	(pc) =	sbr.rel @p0 .LBB2_23-.Ltmp13, $4  }
0x18c: {  	v4 =	vld [tilespmem:s29+$0xFFFFFF10];
	[tilespmem:s0+$0xFFFFFF20] =	vst v1;
	v2 =	vmul.f32 $8.000000000e+00, v2  }
0x18d: {  	v7 =	vmul.f32 $8.000000000e+00, v6;
	v1 =	vld [tilespmem:s8+$0xFFFFFF30];
	[tilespmem:s0+$0xFFFFFFA0] =	vst v0  }
0x18e: {  	v0 =	vld [tilespmem:s8+$0xFFFFFFB0];
	[tilespmem:s0+$0x20] =	vst v2;
	v5 =	vmul.f32 $8.000000000e+00, v5  }
0x18f: {  	v6 =	vmul.f32 $8.000000000e+00, v8;
	[tilespmem:s11+$0x90] =	vst v7;
	v2 =	vld [tilespmem:s8+$0x30];
	s8 =	smov.u32 s29;
	s29 =	sadd.s32 $0x200, s29  }
0x190: {  	v3 =	vmul.f32 $8.000000000e+00, v3  }
0x191: {  	v7 =	vld [tilespmem:s8+$0xA0];
	v4 =	vmul.f32 $8.000000000e+00, v4;
	[tilespmem:s11+$0xFFFFFF90] =	vst v6  }
0x192: {  	[tilespmem:s11+$0x10] =	vst v3;
	v53 =	vld [tilespmem:s8+$0xFFFFFFA0]  }
0x193: {  	[tilespmem:s11+$0xFFFFFF10] =	vst v4;
	v54 =	vld [tilespmem:s8+$0x20]  }
0x194: {  	v4 =	vld [tilespmem:s8+$0xFFFFFF20];
	_ =	sdelay $0x1  }
0x195: {  	v7 =	vmul.f32 $8.000000000e+00, v7  }
0x196: {  	v3 =	vmul.f32 $8.000000000e+00, v53  }
0x197: {  	[tilespmem:s11+$0xA0] =	vst v7;
	v6 =	vmul.f32 $8.000000000e+00, v54  }
0x198: {  	v55 =	vld [tilespmem:s8+$0xB0];
	v4 =	vmul.f32 $8.000000000e+00, v4;
	[tilespmem:s11+$0xFFFFFFA0] =	vst v3  }
0x199: {  	[tilespmem:s11+$0x20] =	vst v6;
	v57 =	vld [tilespmem:s8+$0xFFFFFFB0]  }
0x19a: {  	v1 =	vmul.f32 $8.000000000e+00, v1;
	[tilespmem:s11+$0xFFFFFF20] =	vst v4;
	v58 =	vld [tilespmem:s8+$0x30]  }
0x19b: {  	[tilespmem:s0+$0xB0] =	vst v5;
	v0 =	vmul.f32 $8.000000000e+00, v0;
	v56 =	vld [tilespmem:s8+$0xFFFFFF30]  }
0x19c: {  	[tilespmem:s0+$0xFFFFFF30] =	vst v1;
	v59 =	vmul.f32 $8.000000000e+00, v2  }
0x19d: {  	[tilespmem:s0+$0xFFFFFFB0] =	vst v0;
	v60 =	vmul.f32 $8.000000000e+00, v55  }
0x19e: {  	[tilespmem:s0+$0x30] =	vst v59;
	v62 =	vmul.f32 $8.000000000e+00, v57  }
0x19f: {  	[tilespmem:s11+$0xB0] =	vst v60;
	v63 =	vmul.f32 $8.000000000e+00, v58  }
0x1a0: {  	v61 =	vmul.f32 $8.000000000e+00, v56;
	[tilespmem:s11+$0xFFFFFFB0] =	vst v62  }
0x1a1: {  	[tilespmem:s11+$0x30] =	vst v63  }
0x1a2: {  	s0 =	simm.s32 $0x0;
	[tilespmem:s11+$0xFFFFFF30] =	vst v61  }
.LBB2_25:
0x1a3: {  	s6 =	sshra.s32 s0, $0x2  }
0x1a4: {  	v0 =	vld [tilespmem:s6+$0x7E00]  }
0x1a5: {  	v1 =	vld [tilespmem:s6+$0x7E10]  }
0x1a6: {  	v2 =	vld [tilespmem:s6+$0x7E20]  }
0x1a7: {  	v3 =	vld [tilespmem:s6+$0x7E30];
	_ =	sdelay $0x1  }
0x1a8: {  	p0 =	sne.s32 s0, $0x200;
	v0 =	vmul.f32 $8.000000000e+00, v0  }
.Ltmp14:
0x1a9: {  	v1 =	vmul.f32 $8.000000000e+00, v1;
	(pc) =	sbr.rel @p0 .LBB2_25-.Ltmp14, $4  }
0x1aa: {  	v62 =	vmul.f32 $8.000000000e+00, v2;
	[tilespmem:s6+$0x15200] =	vst v0  }
0x1ab: {  	v63 =	vmul.f32 $8.000000000e+00, v3;
	[tilespmem:s6+$0x15210] =	vst v1  }
0x1ac: {  	[tilespmem:s6+$0x15220] =	vst v62  }
0x1ad: {  	s0 =	sadd.s32 $0x200, s0;
	[tilespmem:s6+$0x15230] =	vst v63  }
0x1ae: {  	s30 =	simm.s32 $0x80B0  }
0x1af: {  	v0 =	vld [tilespmem:s30+$0xFFFFFFD0];
	_ =	sdelay $0x3  }
0x1b0: {  	v1 =	vld [tilespmem:s30+$0xFFFFFE50]  }
0x1b1: {  	v2 =	vld [tilespmem:s30+$0xFFFFFED0];
	v0 =	vmul.f32 $8.000000000e+00, v0  }
0x1b2: {  	s0 =	simm.s32 $0x157B0;
	v3 =	vld [tilespmem:s30+$0xFFFFFF50]  }
0x1b3: {  	[tilespmem:s0+$0xFFFFFFD0] =	vst v0  }
0x1b4: {  	v0 =	vld [tilespmem:s30+$0xFFFFFFE0]  }
0x1b5: {  	v1 =	vmul.f32 $8.000000000e+00, v1  }
0x1b6: {  	v2 =	vmul.f32 $8.000000000e+00, v2  }
0x1b7: {  	v3 =	vmul.f32 $8.000000000e+00, v3;
	[tilespmem:s0+$0xFFFFFE50] =	vst v1  }
0x1b8: {  	[tilespmem:s0+$0xFFFFFED0] =	vst v2;
	v1 =	vld [tilespmem:s30+$0xFFFFFE60]  }
0x1b9: {  	[tilespmem:s0+$0xFFFFFF50] =	vst v3;
	v2 =	vld [tilespmem:s30+$0xFFFFFEE0];
	v0 =	vmul.f32 $8.000000000e+00, v0  }
0x1ba: {  	s8 =	simm.s32 $0x82B0;
	v3 =	vld [tilespmem:s30+$0xFFFFFF60]  }
0x1bb: {  	[tilespmem:s0+$0xFFFFFFE0] =	vst v0;
	v0 =	vld [tilespmem:s8+$0xFFFFFFD0]  }
0x1bc: {  	v4 =	vld [tilespmem:s30+$0xFFFFFFF0]  }
0x1bd: {  	v5 =	vld [tilespmem:s8+$0xFFFFFED0];
	v1 =	vmul.f32 $8.000000000e+00, v1  }
0x1be: {  	v6 =	vld [tilespmem:s8+$0xFFFFFF50];
	v2 =	vmul.f32 $8.000000000e+00, v2  }
0x1bf: {  	v3 =	vmul.f32 $8.000000000e+00, v3;
	[tilespmem:s0+$0xFFFFFE60] =	vst v1;
	v1 =	vld [tilespmem:s8+$0xFFFFFE50]  }
0x1c0: {  	[tilespmem:s0+$0xFFFFFEE0] =	vst v2;
	v2 =	vld [tilespmem:s30+$0xFFFFFE70];
	v0 =	vmul.f32 $8.000000000e+00, v0  }
0x1c1: {  	s11 =	simm.s32 $0x159B0;
	[tilespmem:s0+$0xFFFFFF60] =	vst v3;
	v7 =	vld [tilespmem:s30+$0xFFFFFEF0];
	v3 =	vmul.f32 $8.000000000e+00, v4  }
0x1c2: {  	v4 =	vmul.f32 $8.000000000e+00, v5;
	[tilespmem:s11+$0xFFFFFFD0] =	vst v0;
	v0 =	vld [tilespmem:s30+$0xFFFFFF70]  }
0x1c3: {  	v5 =	vmul.f32 $8.000000000e+00, v6;
	v6 =	vld [tilespmem:s8+$0xFFFFFFE0];
	[tilespmem:s0+$0xFFFFFFF0] =	vst v3  }
0x1c4: {  	v1 =	vmul.f32 $8.000000000e+00, v1;
	[tilespmem:s11+$0xFFFFFED0] =	vst v4;
	v8 =	vld [tilespmem:s30+$0x0]  }
0x1c5: {  	v2 =	vmul.f32 $8.000000000e+00, v2;
	[tilespmem:s11+$0xFFFFFF50] =	vst v5;
	v9 =	vld [tilespmem:s8+$0xFFFFFEE0]  }
0x1c6: {  	[tilespmem:s11+$0xFFFFFE50] =	vst v1;
	v5 =	vmul.f32 $8.000000000e+00, v7;
	v3 =	vld [tilespmem:s8+$0xFFFFFF60]  }
0x1c7: {  	v4 =	vld [tilespmem:s8+$0xFFFFFE60];
	[tilespmem:s0+$0xFFFFFE70] =	vst v2;
	v2 =	vmul.f32 $8.000000000e+00, v0  }
0x1c8: {  	v1 =	vld [tilespmem:s30+$0xFFFFFE80];
	[tilespmem:s0+$0xFFFFFEF0] =	vst v5;
	v7 =	vmul.f32 $8.000000000e+00, v6  }
0x1c9: {  	v0 =	vld [tilespmem:s30+$0xFFFFFF00];
	[tilespmem:s0+$0xFFFFFF70] =	vst v2;
	v5 =	vmul.f32 $8.000000000e+00, v8  }
0x1ca: {  	s6 =	simm.s32 $0x4;
	s29 =	simm.s32 $0x84B0;
	v6 =	vmul.f32 $8.000000000e+00, v9;
	[tilespmem:s11+$0xFFFFFFE0] =	vst v7;
	v2 =	vld [tilespmem:s30+$0xFFFFFF80]  }
.LBB2_27:
0x1cb: {  	v7 =	vld [tilespmem:s29+$0xFFFFFFD0];
	v3 =	vmul.f32 $8.000000000e+00, v3;
	[tilespmem:s0+$0x0] =	vst v5  }
0x1cc: {  	s6 =	sadd.s32 $0x4, s6;
	v4 =	vmul.f32 $8.000000000e+00, v4;
	[tilespmem:s11+$0xFFFFFEE0] =	vst v6;
	v5 =	vld [tilespmem:s8+$0xFFFFFFF0]  }
0x1cd: {  	p0 =	slt.u32 s6, $0x2C;
	v6 =	vld [tilespmem:s29+$0xFFFFFED0];
	[tilespmem:s11+$0xFFFFFF60] =	vst v3;
	v1 =	vmul.f32 $8.000000000e+00, v1  }
0x1ce: {  	v3 =	vld [tilespmem:s29+$0xFFFFFF50];
	[tilespmem:s11+$0xFFFFFE60] =	vst v4;
	v0 =	vmul.f32 $8.000000000e+00, v0  }
0x1cf: {  	v4 =	vld [tilespmem:s29+$0xFFFFFE50];
	[tilespmem:s0+$0xFFFFFE80] =	vst v1;
	v1 =	vmul.f32 $8.000000000e+00, v2  }
0x1d0: {  	v2 =	vmul.f32 $8.000000000e+00, v7;
	v7 =	vld [tilespmem:s8+$0xFFFFFE70];
	[tilespmem:s0+$0xFFFFFF00] =	vst v0  }
0x1d1: {  	v0 =	vld [tilespmem:s8+$0xFFFFFEF0];
	v5 =	vmul.f32 $8.000000000e+00, v5;
	[tilespmem:s0+$0xFFFFFF80] =	vst v1;
	s0 =	smov.u32 s11;
	s11 =	sadd.s32 $0x200, s11  }
0x1d2: {  	v1 =	vmul.f32 $8.000000000e+00, v6;
	[tilespmem:s11+$0xFFFFFFD0] =	vst v2;
	v2 =	vld [tilespmem:s8+$0xFFFFFF70]  }
0x1d3: {  	v3 =	vmul.f32 $8.000000000e+00, v3;
	v6 =	vld [tilespmem:s29+$0xFFFFFFE0];
	[tilespmem:s0+$0xFFFFFFF0] =	vst v5  }
0x1d4: {  	v4 =	vmul.f32 $8.000000000e+00, v4;
	[tilespmem:s11+$0xFFFFFED0] =	vst v1;
	v5 =	vld [tilespmem:s8+$0x0]  }
0x1d5: {  	v8 =	vld [tilespmem:s29+$0xFFFFFEE0];
	[tilespmem:s11+$0xFFFFFF50] =	vst v3;
	v1 =	vmul.f32 $8.000000000e+00, v7  }
.Ltmp15:
0x1d6: {  	[tilespmem:s11+$0xFFFFFE50] =	vst v4;
	v3 =	vld [tilespmem:s29+$0xFFFFFF60];
	v0 =	vmul.f32 $8.000000000e+00, v0;
	(pc) =	sbr.rel @p0 .LBB2_27-.Ltmp15, $4  }
0x1d7: {  	v4 =	vld [tilespmem:s29+$0xFFFFFE60];
	[tilespmem:s0+$0xFFFFFE70] =	vst v1;
	v2 =	vmul.f32 $8.000000000e+00, v2  }
0x1d8: {  	v7 =	vmul.f32 $8.000000000e+00, v6;
	v1 =	vld [tilespmem:s8+$0xFFFFFE80];
	[tilespmem:s0+$0xFFFFFEF0] =	vst v0  }
0x1d9: {  	v0 =	vld [tilespmem:s8+$0xFFFFFF00];
	[tilespmem:s0+$0xFFFFFF70] =	vst v2;
	v5 =	vmul.f32 $8.000000000e+00, v5  }
0x1da: {  	v6 =	vmul.f32 $8.000000000e+00, v8;
	[tilespmem:s11+$0xFFFFFFE0] =	vst v7;
	v2 =	vld [tilespmem:s8+$0xFFFFFF80];
	s8 =	smov.u32 s29;
	s29 =	sadd.s32 $0x200, s29  }
0x1db: {  	v3 =	vmul.f32 $8.000000000e+00, v3  }
0x1dc: {  	v7 =	vld [tilespmem:s8+$0xFFFFFFF0];
	v4 =	vmul.f32 $8.000000000e+00, v4;
	[tilespmem:s11+$0xFFFFFEE0] =	vst v6  }
0x1dd: {  	[tilespmem:s11+$0xFFFFFF60] =	vst v3;
	v53 =	vld [tilespmem:s8+$0xFFFFFEF0]  }
0x1de: {  	[tilespmem:s11+$0xFFFFFE60] =	vst v4;
	v54 =	vld [tilespmem:s8+$0xFFFFFF70]  }
0x1df: {  	v4 =	vld [tilespmem:s8+$0xFFFFFE70];
	_ =	sdelay $0x1  }
0x1e0: {  	v7 =	vmul.f32 $8.000000000e+00, v7  }
0x1e1: {  	v3 =	vmul.f32 $8.000000000e+00, v53  }
0x1e2: {  	[tilespmem:s11+$0xFFFFFFF0] =	vst v7;
	v6 =	vmul.f32 $8.000000000e+00, v54  }
0x1e3: {  	v55 =	vld [tilespmem:s8+$0x0];
	v4 =	vmul.f32 $8.000000000e+00, v4;
	[tilespmem:s11+$0xFFFFFEF0] =	vst v3  }
0x1e4: {  	[tilespmem:s11+$0xFFFFFF70] =	vst v6;
	v57 =	vld [tilespmem:s8+$0xFFFFFF00]  }
0x1e5: {  	v1 =	vmul.f32 $8.000000000e+00, v1;
	[tilespmem:s11+$0xFFFFFE70] =	vst v4;
	v58 =	vld [tilespmem:s8+$0xFFFFFF80]  }
0x1e6: {  	[tilespmem:s0+$0x0] =	vst v5;
	v0 =	vmul.f32 $8.000000000e+00, v0;
	v56 =	vld [tilespmem:s8+$0xFFFFFE80]  }
0x1e7: {  	[tilespmem:s0+$0xFFFFFE80] =	vst v1;
	v59 =	vmul.f32 $8.000000000e+00, v2  }
0x1e8: {  	[tilespmem:s0+$0xFFFFFF00] =	vst v0;
	v60 =	vmul.f32 $8.000000000e+00, v55  }
0x1e9: {  	[tilespmem:s0+$0xFFFFFF80] =	vst v59;
	v62 =	vmul.f32 $8.000000000e+00, v57  }
0x1ea: {  	[tilespmem:s11+$0x0] =	vst v60;
	v63 =	vmul.f32 $8.000000000e+00, v58  }
0x1eb: {  	v61 =	vmul.f32 $8.000000000e+00, v56;
	[tilespmem:s11+$0xFFFFFF00] =	vst v62  }
0x1ec: {  	[tilespmem:s11+$0xFFFFFF80] =	vst v63  }
0x1ed: {  	s0 =	simm.s32 $0x0;
	[tilespmem:s11+$0xFFFFFE80] =	vst v61  }
.LBB2_29:
0x1ee: {  	s6 =	sshra.s32 s0, $0x2  }
0x1ef: {  	v0 =	vld [tilespmem:s6+$0x9700]  }
0x1f0: {  	v1 =	vld [tilespmem:s6+$0x9710]  }
0x1f1: {  	v2 =	vld [tilespmem:s6+$0x9720]  }
0x1f2: {  	v3 =	vld [tilespmem:s6+$0x9730];
	_ =	sdelay $0x1  }
0x1f3: {  	p0 =	sne.s32 s0, $0x200;
	v0 =	vmul.f32 $8.000000000e+00, v0  }
.Ltmp16:
0x1f4: {  	v1 =	vmul.f32 $8.000000000e+00, v1;
	(pc) =	sbr.rel @p0 .LBB2_29-.Ltmp16, $4  }
0x1f5: {  	v62 =	vmul.f32 $8.000000000e+00, v2;
	[tilespmem:s6+$0x16E00] =	vst v0  }
0x1f6: {  	v63 =	vmul.f32 $8.000000000e+00, v3;
	[tilespmem:s6+$0x16E10] =	vst v1  }
0x1f7: {  	[tilespmem:s6+$0x16E20] =	vst v62  }
0x1f8: {  	s0 =	sadd.s32 $0x200, s0;
	[tilespmem:s6+$0x16E30] =	vst v63  }
0x1f9: {  	s30 =	simm.s32 $0x99B0  }
0x1fa: {  	v0 =	vld [tilespmem:s30+$0xFFFFFFD0];
	_ =	sdelay $0x3  }
0x1fb: {  	v1 =	vld [tilespmem:s30+$0xFFFFFE50]  }
0x1fc: {  	v2 =	vld [tilespmem:s30+$0xFFFFFED0];
	v0 =	vmul.f32 $8.000000000e+00, v0  }
0x1fd: {  	s0 =	simm.s32 $0x173B0;
	v3 =	vld [tilespmem:s30+$0xFFFFFF50]  }
0x1fe: {  	[tilespmem:s0+$0xFFFFFFD0] =	vst v0  }
0x1ff: {  	v0 =	vld [tilespmem:s30+$0xFFFFFFE0]  }
0x200: {  	v1 =	vmul.f32 $8.000000000e+00, v1  }
0x201: {  	v2 =	vmul.f32 $8.000000000e+00, v2  }
0x202: {  	v3 =	vmul.f32 $8.000000000e+00, v3;
	[tilespmem:s0+$0xFFFFFE50] =	vst v1  }
0x203: {  	[tilespmem:s0+$0xFFFFFED0] =	vst v2;
	v1 =	vld [tilespmem:s30+$0xFFFFFE60]  }
0x204: {  	[tilespmem:s0+$0xFFFFFF50] =	vst v3;
	v2 =	vld [tilespmem:s30+$0xFFFFFEE0];
	v0 =	vmul.f32 $8.000000000e+00, v0  }
0x205: {  	s8 =	simm.s32 $0x9BB0;
	v3 =	vld [tilespmem:s30+$0xFFFFFF60]  }
0x206: {  	[tilespmem:s0+$0xFFFFFFE0] =	vst v0;
	v0 =	vld [tilespmem:s8+$0xFFFFFFD0]  }
0x207: {  	v4 =	vld [tilespmem:s30+$0xFFFFFFF0]  }
0x208: {  	v5 =	vld [tilespmem:s8+$0xFFFFFED0];
	v1 =	vmul.f32 $8.000000000e+00, v1  }
0x209: {  	v6 =	vld [tilespmem:s8+$0xFFFFFF50];
	v2 =	vmul.f32 $8.000000000e+00, v2  }
0x20a: {  	v3 =	vmul.f32 $8.000000000e+00, v3;
	[tilespmem:s0+$0xFFFFFE60] =	vst v1;
	v1 =	vld [tilespmem:s8+$0xFFFFFE50]  }
0x20b: {  	[tilespmem:s0+$0xFFFFFEE0] =	vst v2;
	v2 =	vld [tilespmem:s30+$0xFFFFFE70];
	v0 =	vmul.f32 $8.000000000e+00, v0  }
0x20c: {  	s11 =	simm.s32 $0x175B0;
	[tilespmem:s0+$0xFFFFFF60] =	vst v3;
	v7 =	vld [tilespmem:s30+$0xFFFFFEF0];
	v3 =	vmul.f32 $8.000000000e+00, v4  }
0x20d: {  	v4 =	vmul.f32 $8.000000000e+00, v5;
	[tilespmem:s11+$0xFFFFFFD0] =	vst v0;
	v0 =	vld [tilespmem:s30+$0xFFFFFF70]  }
0x20e: {  	v5 =	vmul.f32 $8.000000000e+00, v6;
	v6 =	vld [tilespmem:s8+$0xFFFFFFE0];
	[tilespmem:s0+$0xFFFFFFF0] =	vst v3  }
0x20f: {  	v1 =	vmul.f32 $8.000000000e+00, v1;
	[tilespmem:s11+$0xFFFFFED0] =	vst v4;
	v8 =	vld [tilespmem:s30+$0x0]  }
0x210: {  	v2 =	vmul.f32 $8.000000000e+00, v2;
	[tilespmem:s11+$0xFFFFFF50] =	vst v5;
	v9 =	vld [tilespmem:s8+$0xFFFFFEE0]  }
0x211: {  	[tilespmem:s11+$0xFFFFFE50] =	vst v1;
	v5 =	vmul.f32 $8.000000000e+00, v7;
	v3 =	vld [tilespmem:s8+$0xFFFFFF60]  }
0x212: {  	v4 =	vld [tilespmem:s8+$0xFFFFFE60];
	[tilespmem:s0+$0xFFFFFE70] =	vst v2;
	v2 =	vmul.f32 $8.000000000e+00, v0  }
0x213: {  	v1 =	vld [tilespmem:s30+$0xFFFFFE80];
	[tilespmem:s0+$0xFFFFFEF0] =	vst v5;
	v7 =	vmul.f32 $8.000000000e+00, v6  }
0x214: {  	v0 =	vld [tilespmem:s30+$0xFFFFFF00];
	[tilespmem:s0+$0xFFFFFF70] =	vst v2;
	v5 =	vmul.f32 $8.000000000e+00, v8  }
0x215: {  	s6 =	simm.s32 $0x4;
	s29 =	simm.s32 $0x9DB0;
	v6 =	vmul.f32 $8.000000000e+00, v9;
	[tilespmem:s11+$0xFFFFFFE0] =	vst v7;
	v2 =	vld [tilespmem:s30+$0xFFFFFF80]  }
.LBB2_31:
0x216: {  	v7 =	vld [tilespmem:s29+$0xFFFFFFD0];
	v3 =	vmul.f32 $8.000000000e+00, v3;
	[tilespmem:s0+$0x0] =	vst v5  }
0x217: {  	s6 =	sadd.s32 $0x4, s6;
	v4 =	vmul.f32 $8.000000000e+00, v4;
	[tilespmem:s11+$0xFFFFFEE0] =	vst v6;
	v5 =	vld [tilespmem:s8+$0xFFFFFFF0]  }
0x218: {  	p0 =	slt.u32 s6, $0x2C;
	v6 =	vld [tilespmem:s29+$0xFFFFFED0];
	[tilespmem:s11+$0xFFFFFF60] =	vst v3;
	v1 =	vmul.f32 $8.000000000e+00, v1  }
0x219: {  	v3 =	vld [tilespmem:s29+$0xFFFFFF50];
	[tilespmem:s11+$0xFFFFFE60] =	vst v4;
	v0 =	vmul.f32 $8.000000000e+00, v0  }
0x21a: {  	v4 =	vld [tilespmem:s29+$0xFFFFFE50];
	[tilespmem:s0+$0xFFFFFE80] =	vst v1;
	v1 =	vmul.f32 $8.000000000e+00, v2  }
0x21b: {  	v2 =	vmul.f32 $8.000000000e+00, v7;
	v7 =	vld [tilespmem:s8+$0xFFFFFE70];
	[tilespmem:s0+$0xFFFFFF00] =	vst v0  }
0x21c: {  	v0 =	vld [tilespmem:s8+$0xFFFFFEF0];
	v5 =	vmul.f32 $8.000000000e+00, v5;
	[tilespmem:s0+$0xFFFFFF80] =	vst v1;
	s0 =	smov.u32 s11;
	s11 =	sadd.s32 $0x200, s11  }
0x21d: {  	v1 =	vmul.f32 $8.000000000e+00, v6;
	[tilespmem:s11+$0xFFFFFFD0] =	vst v2;
	v2 =	vld [tilespmem:s8+$0xFFFFFF70]  }
0x21e: {  	v3 =	vmul.f32 $8.000000000e+00, v3;
	v6 =	vld [tilespmem:s29+$0xFFFFFFE0];
	[tilespmem:s0+$0xFFFFFFF0] =	vst v5  }
0x21f: {  	v4 =	vmul.f32 $8.000000000e+00, v4;
	[tilespmem:s11+$0xFFFFFED0] =	vst v1;
	v5 =	vld [tilespmem:s8+$0x0]  }
0x220: {  	v8 =	vld [tilespmem:s29+$0xFFFFFEE0];
	[tilespmem:s11+$0xFFFFFF50] =	vst v3;
	v1 =	vmul.f32 $8.000000000e+00, v7  }
.Ltmp17:
0x221: {  	[tilespmem:s11+$0xFFFFFE50] =	vst v4;
	v3 =	vld [tilespmem:s29+$0xFFFFFF60];
	v0 =	vmul.f32 $8.000000000e+00, v0;
	(pc) =	sbr.rel @p0 .LBB2_31-.Ltmp17, $4  }
0x222: {  	v4 =	vld [tilespmem:s29+$0xFFFFFE60];
	[tilespmem:s0+$0xFFFFFE70] =	vst v1;
	v2 =	vmul.f32 $8.000000000e+00, v2  }
0x223: {  	v7 =	vmul.f32 $8.000000000e+00, v6;
	v1 =	vld [tilespmem:s8+$0xFFFFFE80];
	[tilespmem:s0+$0xFFFFFEF0] =	vst v0  }
0x224: {  	v0 =	vld [tilespmem:s8+$0xFFFFFF00];
	[tilespmem:s0+$0xFFFFFF70] =	vst v2;
	v5 =	vmul.f32 $8.000000000e+00, v5  }
0x225: {  	v6 =	vmul.f32 $8.000000000e+00, v8;
	[tilespmem:s11+$0xFFFFFFE0] =	vst v7;
	v2 =	vld [tilespmem:s8+$0xFFFFFF80];
	s8 =	smov.u32 s29;
	s29 =	sadd.s32 $0x200, s29  }
0x226: {  	v3 =	vmul.f32 $8.000000000e+00, v3  }
0x227: {  	v7 =	vld [tilespmem:s8+$0xFFFFFFF0];
	v4 =	vmul.f32 $8.000000000e+00, v4;
	[tilespmem:s11+$0xFFFFFEE0] =	vst v6  }
0x228: {  	[tilespmem:s11+$0xFFFFFF60] =	vst v3;
	v53 =	vld [tilespmem:s8+$0xFFFFFEF0]  }
0x229: {  	[tilespmem:s11+$0xFFFFFE60] =	vst v4;
	v54 =	vld [tilespmem:s8+$0xFFFFFF70]  }
0x22a: {  	v4 =	vld [tilespmem:s8+$0xFFFFFE70];
	_ =	sdelay $0x1  }
0x22b: {  	v7 =	vmul.f32 $8.000000000e+00, v7  }
0x22c: {  	v3 =	vmul.f32 $8.000000000e+00, v53  }
0x22d: {  	[tilespmem:s11+$0xFFFFFFF0] =	vst v7;
	v6 =	vmul.f32 $8.000000000e+00, v54  }
0x22e: {  	v55 =	vld [tilespmem:s8+$0x0];
	v4 =	vmul.f32 $8.000000000e+00, v4;
	[tilespmem:s11+$0xFFFFFEF0] =	vst v3  }
0x22f: {  	[tilespmem:s11+$0xFFFFFF70] =	vst v6;
	v57 =	vld [tilespmem:s8+$0xFFFFFF00]  }
0x230: {  	v1 =	vmul.f32 $8.000000000e+00, v1;
	[tilespmem:s11+$0xFFFFFE70] =	vst v4;
	v58 =	vld [tilespmem:s8+$0xFFFFFF80]  }
0x231: {  	[tilespmem:s0+$0x0] =	vst v5;
	v0 =	vmul.f32 $8.000000000e+00, v0;
	v56 =	vld [tilespmem:s8+$0xFFFFFE80]  }
0x232: {  	[tilespmem:s0+$0xFFFFFE80] =	vst v1;
	v59 =	vmul.f32 $8.000000000e+00, v2  }
0x233: {  	[tilespmem:s0+$0xFFFFFF00] =	vst v0;
	v60 =	vmul.f32 $8.000000000e+00, v55  }
0x234: {  	[tilespmem:s0+$0xFFFFFF80] =	vst v59;
	v62 =	vmul.f32 $8.000000000e+00, v57  }
0x235: {  	[tilespmem:s11+$0x0] =	vst v60;
	v63 =	vmul.f32 $8.000000000e+00, v58  }
0x236: {  	v61 =	vmul.f32 $8.000000000e+00, v56;
	[tilespmem:s11+$0xFFFFFF00] =	vst v62  }
0x237: {  	[tilespmem:s11+$0xFFFFFF80] =	vst v63  }
0x238: {  	s0 =	simm.s32 $0x0;
	[tilespmem:s11+$0xFFFFFE80] =	vst v61  }
.LBB2_33:
0x239: {  	s6 =	sshra.s32 s0, $0x2  }
0x23a: {  	v0 =	vld [tilespmem:s6+$0xB000]  }
0x23b: {  	v1 =	vld [tilespmem:s6+$0xB010]  }
0x23c: {  	v2 =	vld [tilespmem:s6+$0xB020]  }
0x23d: {  	v3 =	vld [tilespmem:s6+$0xB030];
	_ =	sdelay $0x1  }
0x23e: {  	p0 =	sne.s32 s0, $0x200;
	v0 =	vmul.f32 $8.000000000e+00, v0  }
.Ltmp18:
0x23f: {  	v1 =	vmul.f32 $8.000000000e+00, v1;
	(pc) =	sbr.rel @p0 .LBB2_33-.Ltmp18, $4  }
0x240: {  	v62 =	vmul.f32 $8.000000000e+00, v2;
	[tilespmem:s6+$0x18A00] =	vst v0  }
0x241: {  	v63 =	vmul.f32 $8.000000000e+00, v3;
	[tilespmem:s6+$0x18A10] =	vst v1  }
0x242: {  	[tilespmem:s6+$0x18A20] =	vst v62  }
0x243: {  	s0 =	sadd.s32 $0x200, s0;
	[tilespmem:s6+$0x18A30] =	vst v63  }
0x244: {  	s0 =	simm.s32 $0x0  }
0x245: {  	v0 =	vld [tilespmem:s0+$0xB2B0]  }
0x246: {  	v1 =	vld [tilespmem:s0+$0xB100]  }
0x247: {  	v2 =	vld [tilespmem:s0+$0xB110]  }
0x248: {  	v3 =	vld [tilespmem:s0+$0xB120]  }
0x249: {  	v7 =	vld [tilespmem:s0+$0xB1A0]  }
0x24a: {  	v4 =	vld [tilespmem:s0+$0xB130]  }
0x24b: {  	v0 =	vmul.f32 $8.000000000e+00, v0  }
0x24c: {  	v5 =	vld [tilespmem:s0+$0xB180];
	v1 =	vmul.f32 $8.000000000e+00, v1  }
0x24d: {  	v6 =	vld [tilespmem:s0+$0xB190];
	v2 =	vmul.f32 $8.000000000e+00, v2;
	[tilespmem:s0+$0x18FB0] =	vst v0  }
0x24e: {  	v8 =	vld [tilespmem:s0+$0xB1B0];
	v7 =	vmul.f32 $8.000000000e+00, v7;
	[tilespmem:s0+$0x18E00] =	vst v1  }
0x24f: {  	v0 =	vmul.f32 $8.000000000e+00, v3;
	[tilespmem:s0+$0x18E10] =	vst v2;
	v1 =	vmul.f32 $8.000000000e+00, v4;
	v4 =	vld [tilespmem:s0+$0xB200]  }
0x250: {  	v3 =	vld [tilespmem:s0+$0xB210];
	[tilespmem:s0+$0x18EA0] =	vst v7  }
0x251: {  	v2 =	vmul.f32 $8.000000000e+00, v5;
	[tilespmem:s0+$0x18E20] =	vst v0;
	v0 =	vld [tilespmem:s0+$0xB220]  }
0x252: {  	v5 =	vmul.f32 $8.000000000e+00, v6;
	[tilespmem:s0+$0x18E30] =	vst v1;
	v1 =	vld [tilespmem:s0+$0xB230]  }
0x253: {  	v6 =	vmul.f32 $8.000000000e+00, v8;
	[tilespmem:s0+$0x18E80] =	vst v2;
	v2 =	vld [tilespmem:s0+$0xB280]  }
0x254: {  	s6 =	simm.s32 $0x0;
	s8 =	simm.s32 $0x800;
	[tilespmem:s0+$0x18E90] =	vst v5;
	v5 =	vmul.f32 $8.000000000e+00, v4;
	v4 =	vld [tilespmem:s0+$0xB290]  }
.LBB2_35:
0x255: {  	s11 =	sshra.s32 s8, $0x2;
	s6 =	sadd.s32 $0x4, s6;
	[tilespmem:s0+$0x18EB0] =	vst v6;
	v3 =	vmul.f32 $8.000000000e+00, v3;
	v6 =	vld [tilespmem:s0+$0xB2A0]  }
0x256: {  	v7 =	vld [tilespmem:s11+$0xB2B0];
	p0 =	slt.u32 s6, $0x2C;
	[tilespmem:s0+$0x18F00] =	vst v5;
	v0 =	vmul.f32 $8.000000000e+00, v0  }
0x257: {  	v5 =	vld [tilespmem:s11+$0xB100];
	[tilespmem:s0+$0x18F10] =	vst v3;
	v1 =	vmul.f32 $8.000000000e+00, v1  }
0x258: {  	v3 =	vld [tilespmem:s11+$0xB110];
	[tilespmem:s0+$0x18F20] =	vst v0;
	v0 =	vmul.f32 $8.000000000e+00, v2  }
0x259: {  	v2 =	vld [tilespmem:s11+$0xB120];
	[tilespmem:s0+$0x18F30] =	vst v1;
	v1 =	vmul.f32 $8.000000000e+00, v4  }
0x25a: {  	v4 =	vld [tilespmem:s11+$0xB130];
	[tilespmem:s0+$0x18F80] =	vst v0;
	v0 =	vmul.f32 $8.000000000e+00, v6  }
0x25b: {  	v6 =	vld [tilespmem:s11+$0xB180];
	v7 =	vmul.f32 $8.000000000e+00, v7;
	[tilespmem:s0+$0x18F90] =	vst v1  }
0x25c: {  	v1 =	vmul.f32 $8.000000000e+00, v5;
	v5 =	vld [tilespmem:s11+$0xB190];
	[tilespmem:s0+$0x18FA0] =	vst v0;
	s0 =	smov.u32 s11  }
0x25d: {  	s11 =	simm.s32 $0x0;
	v0 =	vmul.f32 $8.000000000e+00, v3;
	v8 =	vld [tilespmem:s0+$0xB1A0];
	[tilespmem:s0+$0x18FB0] =	vst v7  }
0x25e: {  	[tilespmem:s0+$0x18E00] =	vst v1;
	v1 =	vmul.f32 $8.000000000e+00, v2;
	v2 =	vld [tilespmem:s0+$0xB1B0]  }
0x25f: {  	[tilespmem:s0+$0x18E10] =	vst v0;
	v0 =	vmul.f32 $8.000000000e+00, v4;
	v4 =	vld [tilespmem:s0+$0xB200]  }
.Ltmp19:
0x260: {  	[tilespmem:s0+$0x18E20] =	vst v1;
	v1 =	vmul.f32 $8.000000000e+00, v6;
	v3 =	vld [tilespmem:s0+$0xB210];
	(pc) =	sbr.rel @p0 .LBB2_35-.Ltmp19, $4  }
0x261: {  	[tilespmem:s0+$0x18E30] =	vst v0;
	v5 =	vmul.f32 $8.000000000e+00, v5;
	v0 =	vld [tilespmem:s0+$0xB220]  }
0x262: {  	[tilespmem:s0+$0x18E80] =	vst v1;
	v7 =	vmul.f32 $8.000000000e+00, v8;
	v1 =	vld [tilespmem:s0+$0xB230]  }
0x263: {  	[tilespmem:s0+$0x18E90] =	vst v5;
	v6 =	vmul.f32 $8.000000000e+00, v2;
	v2 =	vld [tilespmem:s0+$0xB280]  }
0x264: {  	s8 =	sadd.s32 $0x800, s8;
	[tilespmem:s0+$0x18EA0] =	vst v7;
	v5 =	vmul.f32 $8.000000000e+00, v4;
	v4 =	vld [tilespmem:s0+$0xB290]  }
0x265: {  	[tilespmem:s0+$0x18EB0] =	vst v6;
	v3 =	vmul.f32 $8.000000000e+00, v3;
	v60 =	vld [tilespmem:s0+$0xB2A0]  }
0x266: {  	[tilespmem:s0+$0x18F00] =	vst v5;
	v0 =	vmul.f32 $8.000000000e+00, v0  }
0x267: {  	[tilespmem:s0+$0x18F10] =	vst v3;
	v1 =	vmul.f32 $8.000000000e+00, v1  }
0x268: {  	[tilespmem:s0+$0x18F20] =	vst v0;
	v61 =	vmul.f32 $8.000000000e+00, v2  }
0x269: {  	[tilespmem:s0+$0x18F30] =	vst v1;
	v62 =	vmul.f32 $8.000000000e+00, v4  }
0x26a: {  	[tilespmem:s0+$0x18F80] =	vst v61;
	v63 =	vmul.f32 $8.000000000e+00, v60  }
0x26b: {  	[tilespmem:s0+$0x18F90] =	vst v62  }
0x26c: {  	[tilespmem:s0+$0x18FA0] =	vst v63  }
.LBB2_37:
0x26d: {  	s0 =	sshra.s32 s11, $0x2  }
0x26e: {  	v0 =	vld [tilespmem:s0+$0xC900]  }
0x26f: {  	v1 =	vld [tilespmem:s0+$0xC910]  }
0x270: {  	v2 =	vld [tilespmem:s0+$0xC920]  }
0x271: {  	v3 =	vld [tilespmem:s0+$0xC930];
	_ =	sdelay $0x1  }
0x272: {  	p0 =	sne.s32 s11, $0x200;
	v0 =	vmul.f32 $8.000000000e+00, v0  }
.Ltmp20:
0x273: {  	v1 =	vmul.f32 $8.000000000e+00, v1;
	(pc) =	sbr.rel @p0 .LBB2_37-.Ltmp20, $4  }
0x274: {  	v62 =	vmul.f32 $8.000000000e+00, v2;
	[tilespmem:s0+$0x1A600] =	vst v0  }
0x275: {  	v63 =	vmul.f32 $8.000000000e+00, v3;
	[tilespmem:s0+$0x1A610] =	vst v1  }
0x276: {  	[tilespmem:s0+$0x1A620] =	vst v62  }
0x277: {  	s11 =	sadd.s32 $0x200, s11;
	[tilespmem:s0+$0x1A630] =	vst v63  }
0x278: {  	s0 =	sadd.s32 s1, s7  }
0x279: {  	s0 =	smul.u32 $0x380, s0;
	_ =	sdelay $0x1  }
0x27a: {  	s0 =	sadd.s32 s5, s0  }
0x27b: {  	s11 =	sadd.s32 $0xE00, s0  }
0x27c: {  	[hbm4b:s11+s3] =	stream.linear.scatter [tilespmem:s24], [sflag:$0x4], $0x1900, $0x38;
	[tilespmem:$0x1AA00] =	vst v63  }
0x27d: {  	p0 =	seq.s32 s31, $0x3F;
	s29 =	sadd.s32 $0x1180, s0  }
0x27e: {  	[hbm4b:s29+s3] =	stream.linear.scatter [tilespmem:s25], [sflag:$0x4], $0x1900, $0x38;
	[tilespmem:$0x1AA00] =	vst v63  }
.Ltmp21:
0x27f: {  	_ = 	snop;
	(pc) =	sbr.rel @p0 .LBB2_40-.Ltmp21, $4  }
0x280: {  	s30 =	sadd.s32 $0x1500, s0  }
0x281: {  	[hbm4b:s30+s3] =	stream.linear.scatter [tilespmem:s26], [sflag:$0x4], $0x1900, $0x38;
	[tilespmem:$0x1AA00] =	vst v63  }
0x282: {  	s0 =	sadd.s32 $0x1880, s0  }
0x283: {  	[hbm4b:s0+s3] =	stream.linear.scatter [tilespmem:s28], [sflag:$0x4], $0x1900, $0x38;
	[tilespmem:$0x1AA00] =	vst v63  }
0x284: {  	s0 =	smul.u32 $0x190, s31;
	_ =	sdelay $0x1  }
0x285: {  	s0 =	sadd.s32 s0, s10  }
0x286: {  	s0 =	sshrl.u32 s0, $0x3  }
0x287: {  	s0 =	sadd.s32 s2, s0  }
0x288: {  	[tilespmem:s15], [sflag:$0x5] =	stream.linear.gather [hbm4b:s0+s3], $0xC8, $0x38;
	[tilespmem:$0x1AA00] =	vst v63  }
.Ltmp22:
0x289: {  	_ = 	snop;
	(pc) =	sbr.rel .LBB2_2-.Ltmp22, $4  }
0x28a: {  	_ =	swait.ge [sflag:s12], $0xC8  }
0x28b: {  	[sflag:s12] =	ssyncset.done $0x0  }
0x28c: {  	s31 =	sadd.s32 $0x1, s31;
	[sflag:s12] =	ssyncadd.s32 $0xFFFFFF38  }
0x28d: {  	[tilespmem:s16], [sflag:$0x2] =	stream.indirect.gather [hbm4b:s4+s13], $0x80, s15, s13, $0xb8;
	[tilespmem:$0x1AA00] =	vst v63  }
.LBB2_41:
0x28e: {  	_ =	sfence.sel $0x180000  }
0x28f: {  	[bflag:$0x0] =	sbarrier.arrive $0xFFFF  }
0x290: {  	_ =	strace $0x90000047  }
0x291: {  	s0 =	stileid.u32;
	[bflag:$0x2] =	sbarrier.arrive $0xFFFF  }
0x292: {  	p0 =	sne.s32 s0, $0x0;
	s0 =	rddreg [dreg:$0x2]  }
0x293: {  	s0 =	sadd.s32 @!p0 $0x100000, s0  }
0x294: {  	[sflag:s0] =	ssyncadd.tile.s32 @!p0 $0x1;
	_ =	shalt  }
.Lfunc_end2:
_tile_overlayer_lowered:
.L_overlay_start_2:
0x295: {  	(tag) =	ssettag $0x2  }
0x296: {  	s0 =	rddreg [dreg:$0x0];
	s2 =	stileid.u32  }
0x297: {  	s1 =	rddreg [dreg:$0x1];
	p0 =	sne.s32 s2, $0x0  }
0x298: {  	s3 =	rddreg [dreg:$0x2];
	[bflag:$0x3] =	sbarrier.arrive $0xFFFF;
	s2 =	simm.s32 @!p0 $0x1C05  }
0x299: {  	[timem:s3], [sflag:s2] =	dma.local @!p0 [hbm:s0], s1  }
0x29a: {  	s0 =	simm.s32 @!p0 $0x5  }
0x29b: {  	_ =	swait.ge @!p0 [sflag:s0], s1  }
0x29c: {  	s1 =	ssub.s32 @!p0 $0x0, s1;
	[sflag:s0] =	ssyncset.done @!p0 $0x0  }
0x29d: {  	[sflag:s0] =	ssyncadd.s32 @!p0 s1  }
0x29e: {  	[bflag:$0x3] =	sbarrier.arrive $0xFFFF  }
0x29f: {  	_ =	shalt  }

</sc_bundles>
